<compile_context>
chip_gen: v7x
topology: tpu7x:2x2x1
jax: 0.10.2.dev20260603
libtpu: 0.0.44.dev20260713+nightly
codegen_flags: <defaults>
</compile_context>

<pallas_src>
import functools

import jax
import jax.numpy as jnp
from jax import lax
from jax.experimental import pallas as pl
from jax.experimental.pallas import tpu as pltpu
from jax.experimental.pallas import tpu_sc as plsc

NC = 2
NS = 16
L = 16
D = 64
NW = NC * NS

IDX_CHUNK = 128


def _make_kernel(batch):
    bpw = batch // NW
    n_chunks = bpw // IDX_CHUNK
    n_groups = bpw // L
    mesh = plsc.VectorSubcoreMesh(core_axis_name="c", subcore_axis_name="s")

    @functools.partial(
        pl.kernel,
        mesh=mesh,
        out_type=jax.ShapeDtypeStruct((batch,), jnp.float32),
        compiler_params=pltpu.CompilerParams(use_tc_tiling_on_sc=False),
        scratch_types=[
            pltpu.VMEM((n_chunks, IDX_CHUNK), jnp.int32),
            pltpu.VMEM((n_chunks, IDX_CHUNK), jnp.int32),
            pltpu.VMEM((bpw, D), jnp.float32),
            pltpu.VMEM((bpw, D), jnp.float32),
            pltpu.VMEM((bpw,), jnp.float32),
            pltpu.SemaphoreType.DMA,
            pltpu.SemaphoreType.DMA,
        ],
    )
    def k(user_hbm, item_hbm, ut_hbm, it_hbm, out_hbm,
          uidx_v, iidx_v, urows_v, irows_v, out_v, sem_u, sem_i):
        wid = lax.axis_index("s") * NC + lax.axis_index("c")
        base = wid * bpw

        for c in range(n_chunks):
            pltpu.sync_copy(user_hbm.at[pl.ds(base + c * IDX_CHUNK, IDX_CHUNK)],
                            uidx_v.at[c])
            pltpu.sync_copy(item_hbm.at[pl.ds(base + c * IDX_CHUNK, IDX_CHUNK)],
                            iidx_v.at[c])

        copies = []
        for c in range(n_chunks):
            copies.append(pltpu.async_copy(
                ut_hbm.at[uidx_v.at[c]],
                urows_v.at[pl.ds(c * IDX_CHUNK, IDX_CHUNK)], sem_u))
            copies.append(pltpu.async_copy(
                it_hbm.at[iidx_v.at[c]],
                irows_v.at[pl.ds(c * IDX_CHUNK, IDX_CHUNK)], sem_i))
        for cp in copies:
            cp.wait()

        lanes = lax.iota(jnp.int32, L)

        def perm_xor(v, s):
            return v.at[lanes ^ s].get(mode="promise_in_bounds")

        def group(g, _):
            row0 = g * L
            accs = []
            for r in range(L):
                acc = (urows_v[row0 + r, pl.ds(0, L)] *
                       irows_v[row0 + r, pl.ds(0, L)])
                for jc in range(1, D // L):
                    acc = acc + (urows_v[row0 + r, pl.ds(jc * L, L)] *
                                 irows_v[row0 + r, pl.ds(jc * L, L)])
                accs.append(acc)
            s = 1
            while len(accs) > 1:
                lo_mask = (lanes & s) == 0
                nxt = []
                for i in range(0, len(accs), 2):
                    a, b = accs[i], accs[i + 1]
                    merged = (jnp.where(lo_mask, a, perm_xor(b, s)) +
                              jnp.where(lo_mask, perm_xor(a, s), b))
                    nxt.append(merged)
                accs = nxt
                s *= 2
            out_v[pl.ds(row0, L)] = accs[0]
            return _

        lax.fori_loop(0, n_groups, group, None)

        pltpu.sync_copy(out_v, out_hbm.at[pl.ds(base, bpw)])

    return k


def kernel(user, item, user_table, item_table):
    k = _make_kernel(user.shape[0])
    return k(user, item, user_table, item_table)

# --- scband reference (transcript-rebuilt; emitter-appended) ---
"""Pipeline reference for scband-matrix-factorization-4973572128880 (READ-ONLY COPY).

The authoritative reference and input builder live on the scoring server;
editing this copy changes nothing except your own understanding.
"""

import jax, jax.numpy as jnp
import numpy as np

NUM_USERS = 1000000
NUM_ITEMS = 1000000
EMBED_DIM = 64
BATCH = 16384

def setup_inputs(seed: int = 0) -> dict:
    key = jax.random.key(seed)
    k_user, k_item, k_ut, k_it = jax.random.split(key, 4)
    user = jax.random.randint(k_user, (BATCH,), 0, NUM_USERS, dtype=jnp.int64 if jax.config.read('jax_enable_x64') else jnp.int32).astype(jnp.int32)
    item = jax.random.randint(k_item, (BATCH,), 0, NUM_ITEMS, dtype=jnp.int64 if jax.config.read('jax_enable_x64') else jnp.int32).astype(jnp.int32)
    user_table = jax.random.uniform(k_ut, (NUM_USERS, EMBED_DIM), dtype=jnp.float32, minval=-0.05, maxval=0.05)
    item_table = jax.random.uniform(k_it, (NUM_ITEMS, EMBED_DIM), dtype=jnp.float32, minval=-0.05, maxval=0.05)
    return {"user": user, "item": item, "user_table": user_table, "item_table": item_table}

def reference(user, item, user_table, item_table):
    # Embedding lookups (gather)
    user_vec = jnp.take(user_table, user, axis=0)  # [B, D]
    item_vec = jnp.take(item_table, item, axis=0)  # [B, D]
    # Elementwise product + sum over embedding dim -> dot product per example
    return (user_vec * item_vec).sum(axis=1)  # [B]

if __name__ == "__main__":
    import jax
    _d = setup_inputs()
    print(jax.jit(kernel)(*tuple(_d.values())))

</pallas_src>

<mosaic_0001>
#map = affine_map<(d0, d1) -> (0)>
#map1 = affine_map<(d0, d1) -> (0, 0)>
module attributes {stable_mosaic.version = 14 : i64} {
  func.func @k(%arg0: i32, %arg1: i32, %arg2: memref<16384xi32, #tpu.memory_space<hbm>>, %arg3: memref<16384xi32, #tpu.memory_space<hbm>>, %arg4: memref<1000000x64xf32, #tpu.memory_space<hbm>>, %arg5: memref<1000000x64xf32, #tpu.memory_space<hbm>>, %arg6: memref<16384xf32, #tpu.memory_space<hbm>>, %arg7: memref<4x128xi32, #tpu.memory_space<vmem>>, %arg8: memref<4x128xi32, #tpu.memory_space<vmem>>, %arg9: memref<512x64xf32, #tpu.memory_space<vmem>>, %arg10: memref<512x64xf32, #tpu.memory_space<vmem>>, %arg11: memref<512xf32, #tpu.memory_space<vmem>>, %arg12: memref<!tpu.dma_semaphore, #tpu.memory_space<semaphore_mem>>, %arg13: memref<!tpu.dma_semaphore, #tpu.memory_space<semaphore_mem>>) attributes {dimension_semantics = [#tpu.dimension_semantics<core_parallel>, #tpu.dimension_semantics<subcore_parallel>], iteration_bounds = array<i64: 2, 16>, scalar_prefetch = 0 : i64, scratch_operands = 7 : i64, tpu.core_type = #tpu.core_type<sc_vector_subcore>, window_params = [{transform_indices = #map}, {transform_indices = #map}, {transform_indices = #map1}, {transform_indices = #map1}, {transform_indices = #map}]} {
    %mul3A = arith.constant 2 : i32
    %mul3A_0 = arith.muli %arg1, %mul3A : i32
    %add3A = arith.addi %mul3A_0, %arg0 : i32
    %mul3A_1 = arith.constant 512 : i32
    %mul3A_2 = arith.muli %add3A, %mul3A_1 : i32
    %add3A_3 = arith.constant 0 : i32
    %add3A_4 = arith.addi %mul3A_2, %add3A_3 : i32
    %run_scoped3A = arith.constant 0 : i32
    "tpu.region"() ({
      %run_scoped3A_188 = tpu.sem_alloc : memref<!tpu.dma_semaphore, #tpu.memory_space<semaphore_mem>>
      %dma_start3A_189 = arith.constant 0 : i32
      %dma_start3A_190 = tpu.memref_slice %arg7[%run_scoped3A, %dma_start3A_189] : memref<4x128xi32, #tpu.memory_space<vmem>> -> memref<1x128xi32, #tpu.memory_space<vmem>>
      %dma_start3A_191 = tpu.memref_squeeze %dma_start3A_190 : memref<1x128xi32, #tpu.memory_space<vmem>> -> memref<128xi32, #tpu.memory_space<vmem>>
      %dma_start3A_192 = tpu.memref_slice %arg2[%add3A_4] : memref<16384xi32, #tpu.memory_space<hbm>> -> memref<128xi32, #tpu.memory_space<hbm>>
      %dma_start3A_193 = arith.constant 0 : i32
      %dma_start3A_194 = tpu.memref_slice %arg7[%run_scoped3A, %dma_start3A_193] : memref<4x128xi32, #tpu.memory_space<vmem>> -> memref<1x128xi32, #tpu.memory_space<vmem>>
      %dma_start3A_195 = tpu.memref_squeeze %dma_start3A_194 : memref<1x128xi32, #tpu.memory_space<vmem>> -> memref<128xi32, #tpu.memory_space<vmem>>
      %dma_start3A_196 = tpu.memref_slice %arg2[%add3A_4] : memref<16384xi32, #tpu.memory_space<hbm>> -> memref<128xi32, #tpu.memory_space<hbm>>
      tpu.enqueue_dma source(%dma_start3A_196 : memref<128xi32, #tpu.memory_space<hbm>>) target(%dma_start3A_195 : memref<128xi32, #tpu.memory_space<vmem>>) target_semaphore(%run_scoped3A_188 : memref<!tpu.dma_semaphore, #tpu.memory_space<semaphore_mem>>)
      %dma_wait3A_197 = arith.constant 0 : i32
      %dma_wait3A_198 = tpu.memref_slice %arg7[%run_scoped3A, %dma_wait3A_197] : memref<4x128xi32, #tpu.memory_space<vmem>> -> memref<1x128xi32, #tpu.memory_space<vmem>>
      %dma_wait3A_199 = tpu.memref_squeeze %dma_wait3A_198 : memref<1x128xi32, #tpu.memory_space<vmem>> -> memref<128xi32, #tpu.memory_space<vmem>>
      %dma_wait3A_200 = tpu.memref_slice %arg2[%add3A_4] : memref<16384xi32, #tpu.memory_space<hbm>> -> memref<128xi32, #tpu.memory_space<hbm>>
      %dma_wait3A_201 = arith.constant 0 : i32
      %dma_wait3A_202 = tpu.memref_slice %arg7[%run_scoped3A, %dma_wait3A_201] : memref<4x128xi32, #tpu.memory_space<vmem>> -> memref<1x128xi32, #tpu.memory_space<vmem>>
      %dma_wait3A_203 = tpu.memref_squeeze %dma_wait3A_202 : memref<1x128xi32, #tpu.memory_space<vmem>> -> memref<128xi32, #tpu.memory_space<vmem>>
      %dma_wait3A_204 = tpu.memref_slice %arg2[%add3A_4] : memref<16384xi32, #tpu.memory_space<hbm>> -> memref<128xi32, #tpu.memory_space<hbm>>
      tpu.wait_dma2 semaphore(%run_scoped3A_188 : memref<!tpu.dma_semaphore, #tpu.memory_space<semaphore_mem>>) src(%dma_wait3A_204 : memref<128xi32, #tpu.memory_space<hbm>>) dst(%dma_wait3A_203 : memref<128xi32, #tpu.memory_space<vmem>>)
      tpu.yield
    }) : () -> ()
    %add3A_5 = arith.constant 0 : i32
    %add3A_6 = arith.addi %mul3A_2, %add3A_5 : i32
    %run_scoped3A_7 = arith.constant 0 : i32
    "tpu.region"() ({
      %run_scoped3A_188 = tpu.sem_alloc : memref<!tpu.dma_semaphore, #tpu.memory_space<semaphore_mem>>
      %dma_start3A_189 = arith.constant 0 : i32
      %dma_start3A_190 = tpu.memref_slice %arg8[%run_scoped3A_7, %dma_start3A_189] : memref<4x128xi32, #tpu.memory_space<vmem>> -> memref<1x128xi32, #tpu.memory_space<vmem>>
      %dma_start3A_191 = tpu.memref_squeeze %dma_start3A_190 : memref<1x128xi32, #tpu.memory_space<vmem>> -> memref<128xi32, #tpu.memory_space<vmem>>
      %dma_start3A_192 = tpu.memref_slice %arg3[%add3A_6] : memref<16384xi32, #tpu.memory_space<hbm>> -> memref<128xi32, #tpu.memory_space<hbm>>
      %dma_start3A_193 = arith.constant 0 : i32
      %dma_start3A_194 = tpu.memref_slice %arg8[%run_scoped3A_7, %dma_start3A_193] : memref<4x128xi32, #tpu.memory_space<vmem>> -> memref<1x128xi32, #tpu.memory_space<vmem>>
      %dma_start3A_195 = tpu.memref_squeeze %dma_start3A_194 : memref<1x128xi32, #tpu.memory_space<vmem>> -> memref<128xi32, #tpu.memory_space<vmem>>
      %dma_start3A_196 = tpu.memref_slice %arg3[%add3A_6] : memref<16384xi32, #tpu.memory_space<hbm>> -> memref<128xi32, #tpu.memory_space<hbm>>
      tpu.enqueue_dma source(%dma_start3A_196 : memref<128xi32, #tpu.memory_space<hbm>>) target(%dma_start3A_195 : memref<128xi32, #tpu.memory_space<vmem>>) target_semaphore(%run_scoped3A_188 : memref<!tpu.dma_semaphore, #tpu.memory_space<semaphore_mem>>)
      %dma_wait3A_197 = arith.constant 0 : i32
      %dma_wait3A_198 = tpu.memref_slice %arg8[%run_scoped3A_7, %dma_wait3A_197] : memref<4x128xi32, #tpu.memory_space<vmem>> -> memref<1x128xi32, #tpu.memory_space<vmem>>
      %dma_wait3A_199 = tpu.memref_squeeze %dma_wait3A_198 : memref<1x128xi32, #tpu.memory_space<vmem>> -> memref<128xi32, #tpu.memory_space<vmem>>
      %dma_wait3A_200 = tpu.memref_slice %arg3[%add3A_6] : memref<16384xi32, #tpu.memory_space<hbm>> -> memref<128xi32, #tpu.memory_space<hbm>>
      %dma_wait3A_201 = arith.constant 0 : i32
      %dma_wait3A_202 = tpu.memref_slice %arg8[%run_scoped3A_7, %dma_wait3A_201] : memref<4x128xi32, #tpu.memory_space<vmem>> -> memref<1x128xi32, #tpu.memory_space<vmem>>
      %dma_wait3A_203 = tpu.memref_squeeze %dma_wait3A_202 : memref<1x128xi32, #tpu.memory_space<vmem>> -> memref<128xi32, #tpu.memory_space<vmem>>
      %dma_wait3A_204 = tpu.memref_slice %arg3[%add3A_6] : memref<16384xi32, #tpu.memory_space<hbm>> -> memref<128xi32, #tpu.memory_space<hbm>>
      tpu.wait_dma2 semaphore(%run_scoped3A_188 : memref<!tpu.dma_semaphore, #tpu.memory_space<semaphore_mem>>) src(%dma_wait3A_204 : memref<128xi32, #tpu.memory_space<hbm>>) dst(%dma_wait3A_203 : memref<128xi32, #tpu.memory_space<vmem>>)
      tpu.yield
    }) : () -> ()
    %add3A_8 = arith.constant 128 : i32
    %add3A_9 = arith.addi %mul3A_2, %add3A_8 : i32
    %run_scoped3A_10 = arith.constant 1 : i32
    "tpu.region"() ({
      %run_scoped3A_188 = tpu.sem_alloc : memref<!tpu.dma_semaphore, #tpu.memory_space<semaphore_mem>>
      %dma_start3A_189 = arith.constant 0 : i32
      %dma_start3A_190 = tpu.memref_slice %arg7[%run_scoped3A_10, %dma_start3A_189] : memref<4x128xi32, #tpu.memory_space<vmem>> -> memref<1x128xi32, #tpu.memory_space<vmem>>
      %dma_start3A_191 = tpu.memref_squeeze %dma_start3A_190 : memref<1x128xi32, #tpu.memory_space<vmem>> -> memref<128xi32, #tpu.memory_space<vmem>>
      %dma_start3A_192 = tpu.memref_slice %arg2[%add3A_9] : memref<16384xi32, #tpu.memory_space<hbm>> -> memref<128xi32, #tpu.memory_space<hbm>>
      %dma_start3A_193 = arith.constant 0 : i32
      %dma_start3A_194 = tpu.memref_slice %arg7[%run_scoped3A_10, %dma_start3A_193] : memref<4x128xi32, #tpu.memory_space<vmem>> -> memref<1x128xi32, #tpu.memory_space<vmem>>
      %dma_start3A_195 = tpu.memref_squeeze %dma_start3A_194 : memref<1x128xi32, #tpu.memory_space<vmem>> -> memref<128xi32, #tpu.memory_space<vmem>>
      %dma_start3A_196 = tpu.memref_slice %arg2[%add3A_9] : memref<16384xi32, #tpu.memory_space<hbm>> -> memref<128xi32, #tpu.memory_space<hbm>>
      tpu.enqueue_dma source(%dma_start3A_196 : memref<128xi32, #tpu.memory_space<hbm>>) target(%dma_start3A_195 : memref<128xi32, #tpu.memory_space<vmem>>) target_semaphore(%run_scoped3A_188 : memref<!tpu.dma_semaphore, #tpu.memory_space<semaphore_mem>>)
      %dma_wait3A_197 = arith.constant 0 : i32
      %dma_wait3A_198 = tpu.memref_slice %arg7[%run_scoped3A_10, %dma_wait3A_197] : memref<4x128xi32, #tpu.memory_space<vmem>> -> memref<1x128xi32, #tpu.memory_space<vmem>>
      %dma_wait3A_199 = tpu.memref_squeeze %dma_wait3A_198 : memref<1x128xi32, #tpu.memory_space<vmem>> -> memref<128xi32, #tpu.memory_space<vmem>>
      %dma_wait3A_200 = tpu.memref_slice %arg2[%add3A_9] : memref<16384xi32, #tpu.memory_space<hbm>> -> memref<128xi32, #tpu.memory_space<hbm>>
      %dma_wait3A_201 = arith.constant 0 : i32
      %dma_wait3A_202 = tpu.memref_slice %arg7[%run_scoped3A_10, %dma_wait3A_201] : memref<4x128xi32, #tpu.memory_space<vmem>> -> memref<1x128xi32, #tpu.memory_space<vmem>>
      %dma_wait3A_203 = tpu.memref_squeeze %dma_wait3A_202 : memref<1x128xi32, #tpu.memory_space<vmem>> -> memref<128xi32, #tpu.memory_space<vmem>>
      %dma_wait3A_204 = tpu.memref_slice %arg2[%add3A_9] : memref<16384xi32, #tpu.memory_space<hbm>> -> memref<128xi32, #tpu.memory_space<hbm>>
      tpu.wait_dma2 semaphore(%run_scoped3A_188 : memref<!tpu.dma_semaphore, #tpu.memory_space<semaphore_mem>>) src(%dma_wait3A_204 : memref<128xi32, #tpu.memory_space<hbm>>) dst(%dma_wait3A_203 : memref<128xi32, #tpu.memory_space<vmem>>)
      tpu.yield
    }) : () -> ()
    %add3A_11 = arith.constant 128 : i32
    %add3A_12 = arith.addi %mul3A_2, %add3A_11 : i32
    %run_scoped3A_13 = arith.constant 1 : i32
    "tpu.region"() ({
      %run_scoped3A_188 = tpu.sem_alloc : memref<!tpu.dma_semaphore, #tpu.memory_space<semaphore_mem>>
      %dma_start3A_189 = arith.constant 0 : i32
      %dma_start3A_190 = tpu.memref_slice %arg8[%run_scoped3A_13, %dma_start3A_189] : memref<4x128xi32, #tpu.memory_space<vmem>> -> memref<1x128xi32, #tpu.memory_space<vmem>>
      %dma_start3A_191 = tpu.memref_squeeze %dma_start3A_190 : memref<1x128xi32, #tpu.memory_space<vmem>> -> memref<128xi32, #tpu.memory_space<vmem>>
      %dma_start3A_192 = tpu.memref_slice %arg3[%add3A_12] : memref<16384xi32, #tpu.memory_space<hbm>> -> memref<128xi32, #tpu.memory_space<hbm>>
      %dma_start3A_193 = arith.constant 0 : i32
      %dma_start3A_194 = tpu.memref_slice %arg8[%run_scoped3A_13, %dma_start3A_193] : memref<4x128xi32, #tpu.memory_space<vmem>> -> memref<1x128xi32, #tpu.memory_space<vmem>>
      %dma_start3A_195 = tpu.memref_squeeze %dma_start3A_194 : memref<1x128xi32, #tpu.memory_space<vmem>> -> memref<128xi32, #tpu.memory_space<vmem>>
      %dma_start3A_196 = tpu.memref_slice %arg3[%add3A_12] : memref<16384xi32, #tpu.memory_space<hbm>> -> memref<128xi32, #tpu.memory_space<hbm>>
      tpu.enqueue_dma source(%dma_start3A_196 : memref<128xi32, #tpu.memory_space<hbm>>) target(%dma_start3A_195 : memref<128xi32, #tpu.memory_space<vmem>>) target_semaphore(%run_scoped3A_188 : memref<!tpu.dma_semaphore, #tpu.memory_space<semaphore_mem>>)
      %dma_wait3A_197 = arith.constant 0 : i32
      %dma_wait3A_198 = tpu.memref_slice %arg8[%run_scoped3A_13, %dma_wait3A_197] : memref<4x128xi32, #tpu.memory_space<vmem>> -> memref<1x128xi32, #tpu.memory_space<vmem>>
      %dma_wait3A_199 = tpu.memref_squeeze %dma_wait3A_198 : memref<1x128xi32, #tpu.memory_space<vmem>> -> memref<128xi32, #tpu.memory_space<vmem>>
      %dma_wait3A_200 = tpu.memref_slice %arg3[%add3A_12] : memref<16384xi32, #tpu.memory_space<hbm>> -> memref<128xi32, #tpu.memory_space<hbm>>
      %dma_wait3A_201 = arith.constant 0 : i32
      %dma_wait3A_202 = tpu.memref_slice %arg8[%run_scoped3A_13, %dma_wait3A_201] : memref<4x128xi32, #tpu.memory_space<vmem>> -> memref<1x128xi32, #tpu.memory_space<vmem>>
      %dma_wait3A_203 = tpu.memref_squeeze %dma_wait3A_202 : memref<1x128xi32, #tpu.memory_space<vmem>> -> memref<128xi32, #tpu.memory_space<vmem>>
      %dma_wait3A_204 = tpu.memref_slice %arg3[%add3A_12] : memref<16384xi32, #tpu.memory_space<hbm>> -> memref<128xi32, #tpu.memory_space<hbm>>
      tpu.wait_dma2 semaphore(%run_scoped3A_188 : memref<!tpu.dma_semaphore, #tpu.memory_space<semaphore_mem>>) src(%dma_wait3A_204 : memref<128xi32, #tpu.memory_space<hbm>>) dst(%dma_wait3A_203 : memref<128xi32, #tpu.memory_space<vmem>>)
      tpu.yield
    }) : () -> ()
    %add3A_14 = arith.constant 256 : i32
    %add3A_15 = arith.addi %mul3A_2, %add3A_14 : i32
    %run_scoped3A_16 = arith.constant 2 : i32
    "tpu.region"() ({
      %run_scoped3A_188 = tpu.sem_alloc : memref<!tpu.dma_semaphore, #tpu.memory_space<semaphore_mem>>
      %dma_start3A_189 = arith.constant 0 : i32
      %dma_start3A_190 = tpu.memref_slice %arg7[%run_scoped3A_16, %dma_start3A_189] : memref<4x128xi32, #tpu.memory_space<vmem>> -> memref<1x128xi32, #tpu.memory_space<vmem>>
      %dma_start3A_191 = tpu.memref_squeeze %dma_start3A_190 : memref<1x128xi32, #tpu.memory_space<vmem>> -> memref<128xi32, #tpu.memory_space<vmem>>
      %dma_start3A_192 = tpu.memref_slice %arg2[%add3A_15] : memref<16384xi32, #tpu.memory_space<hbm>> -> memref<128xi32, #tpu.memory_space<hbm>>
      %dma_start3A_193 = arith.constant 0 : i32
      %dma_start3A_194 = tpu.memref_slice %arg7[%run_scoped3A_16, %dma_start3A_193] : memref<4x128xi32, #tpu.memory_space<vmem>> -> memref<1x128xi32, #tpu.memory_space<vmem>>
      %dma_start3A_195 = tpu.memref_squeeze %dma_start3A_194 : memref<1x128xi32, #tpu.memory_space<vmem>> -> memref<128xi32, #tpu.memory_space<vmem>>
      %dma_start3A_196 = tpu.memref_slice %arg2[%add3A_15] : memref<16384xi32, #tpu.memory_space<hbm>> -> memref<128xi32, #tpu.memory_space<hbm>>
      tpu.enqueue_dma source(%dma_start3A_196 : memref<128xi32, #tpu.memory_space<hbm>>) target(%dma_start3A_195 : memref<128xi32, #tpu.memory_space<vmem>>) target_semaphore(%run_scoped3A_188 : memref<!tpu.dma_semaphore, #tpu.memory_space<semaphore_mem>>)
      %dma_wait3A_197 = arith.constant 0 : i32
      %dma_wait3A_198 = tpu.memref_slice %arg7[%run_scoped3A_16, %dma_wait3A_197] : memref<4x128xi32, #tpu.memory_space<vmem>> -> memref<1x128xi32, #tpu.memory_space<vmem>>
      %dma_wait3A_199 = tpu.memref_squeeze %dma_wait3A_198 : memref<1x128xi32, #tpu.memory_space<vmem>> -> memref<128xi32, #tpu.memory_space<vmem>>
      %dma_wait3A_200 = tpu.memref_slice %arg2[%add3A_15] : memref<16384xi32, #tpu.memory_space<hbm>> -> memref<128xi32, #tpu.memory_space<hbm>>
      %dma_wait3A_201 = arith.constant 0 : i32
      %dma_wait3A_202 = tpu.memref_slice %arg7[%run_scoped3A_16, %dma_wait3A_201] : memref<4x128xi32, #tpu.memory_space<vmem>> -> memref<1x128xi32, #tpu.memory_space<vmem>>
      %dma_wait3A_203 = tpu.memref_squeeze %dma_wait3A_202 : memref<1x128xi32, #tpu.memory_space<vmem>> -> memref<128xi32, #tpu.memory_space<vmem>>
      %dma_wait3A_204 = tpu.memref_slice %arg2[%add3A_15] : memref<16384xi32, #tpu.memory_space<hbm>> -> memref<128xi32, #tpu.memory_space<hbm>>
      tpu.wait_dma2 semaphore(%run_scoped3A_188 : memref<!tpu.dma_semaphore, #tpu.memory_space<semaphore_mem>>) src(%dma_wait3A_204 : memref<128xi32, #tpu.memory_space<hbm>>) dst(%dma_wait3A_203 : memref<128xi32, #tpu.memory_space<vmem>>)
      tpu.yield
    }) : () -> ()
    %add3A_17 = arith.constant 256 : i32
    %add3A_18 = arith.addi %mul3A_2, %add3A_17 : i32
    %run_scoped3A_19 = arith.constant 2 : i32
    "tpu.region"() ({
      %run_scoped3A_188 = tpu.sem_alloc : memref<!tpu.dma_semaphore, #tpu.memory_space<semaphore_mem>>
      %dma_start3A_189 = arith.constant 0 : i32
      %dma_start3A_190 = tpu.memref_slice %arg8[%run_scoped3A_19, %dma_start3A_189] : memref<4x128xi32, #tpu.memory_space<vmem>> -> memref<1x128xi32, #tpu.memory_space<vmem>>
      %dma_start3A_191 = tpu.memref_squeeze %dma_start3A_190 : memref<1x128xi32, #tpu.memory_space<vmem>> -> memref<128xi32, #tpu.memory_space<vmem>>
      %dma_start3A_192 = tpu.memref_slice %arg3[%add3A_18] : memref<16384xi32, #tpu.memory_space<hbm>> -> memref<128xi32, #tpu.memory_space<hbm>>
      %dma_start3A_193 = arith.constant 0 : i32
      %dma_start3A_194 = tpu.memref_slice %arg8[%run_scoped3A_19, %dma_start3A_193] : memref<4x128xi32, #tpu.memory_space<vmem>> -> memref<1x128xi32, #tpu.memory_space<vmem>>
      %dma_start3A_195 = tpu.memref_squeeze %dma_start3A_194 : memref<1x128xi32, #tpu.memory_space<vmem>> -> memref<128xi32, #tpu.memory_space<vmem>>
      %dma_start3A_196 = tpu.memref_slice %arg3[%add3A_18] : memref<16384xi32, #tpu.memory_space<hbm>> -> memref<128xi32, #tpu.memory_space<hbm>>
      tpu.enqueue_dma source(%dma_start3A_196 : memref<128xi32, #tpu.memory_space<hbm>>) target(%dma_start3A_195 : memref<128xi32, #tpu.memory_space<vmem>>) target_semaphore(%run_scoped3A_188 : memref<!tpu.dma_semaphore, #tpu.memory_space<semaphore_mem>>)
      %dma_wait3A_197 = arith.constant 0 : i32
      %dma_wait3A_198 = tpu.memref_slice %arg8[%run_scoped3A_19, %dma_wait3A_197] : memref<4x128xi32, #tpu.memory_space<vmem>> -> memref<1x128xi32, #tpu.memory_space<vmem>>
      %dma_wait3A_199 = tpu.memref_squeeze %dma_wait3A_198 : memref<1x128xi32, #tpu.memory_space<vmem>> -> memref<128xi32, #tpu.memory_space<vmem>>
      %dma_wait3A_200 = tpu.memref_slice %arg3[%add3A_18] : memref<16384xi32, #tpu.memory_space<hbm>> -> memref<128xi32, #tpu.memory_space<hbm>>
      %dma_wait3A_201 = arith.constant 0 : i32
      %dma_wait3A_202 = tpu.memref_slice %arg8[%run_scoped3A_19, %dma_wait3A_201] : memref<4x128xi32, #tpu.memory_space<vmem>> -> memref<1x128xi32, #tpu.memory_space<vmem>>
      %dma_wait3A_203 = tpu.memref_squeeze %dma_wait3A_202 : memref<1x128xi32, #tpu.memory_space<vmem>> -> memref<128xi32, #tpu.memory_space<vmem>>
      %dma_wait3A_204 = tpu.memref_slice %arg3[%add3A_18] : memref<16384xi32, #tpu.memory_space<hbm>> -> memref<128xi32, #tpu.memory_space<hbm>>
      tpu.wait_dma2 semaphore(%run_scoped3A_188 : memref<!tpu.dma_semaphore, #tpu.memory_space<semaphore_mem>>) src(%dma_wait3A_204 : memref<128xi32, #tpu.memory_space<hbm>>) dst(%dma_wait3A_203 : memref<128xi32, #tpu.memory_space<vmem>>)
      tpu.yield
    }) : () -> ()
    %add3A_20 = arith.constant 384 : i32
    %add3A_21 = arith.addi %mul3A_2, %add3A_20 : i32
    %run_scoped3A_22 = arith.constant 3 : i32
    "tpu.region"() ({
      %run_scoped3A_188 = tpu.sem_alloc : memref<!tpu.dma_semaphore, #tpu.memory_space<semaphore_mem>>
      %dma_start3A_189 = arith.constant 0 : i32
      %dma_start3A_190 = tpu.memref_slice %arg7[%run_scoped3A_22, %dma_start3A_189] : memref<4x128xi32, #tpu.memory_space<vmem>> -> memref<1x128xi32, #tpu.memory_space<vmem>>
      %dma_start3A_191 = tpu.memref_squeeze %dma_start3A_190 : memref<1x128xi32, #tpu.memory_space<vmem>> -> memref<128xi32, #tpu.memory_space<vmem>>
      %dma_start3A_192 = tpu.memref_slice %arg2[%add3A_21] : memref<16384xi32, #tpu.memory_space<hbm>> -> memref<128xi32, #tpu.memory_space<hbm>>
      %dma_start3A_193 = arith.constant 0 : i32
      %dma_start3A_194 = tpu.memref_slice %arg7[%run_scoped3A_22, %dma_start3A_193] : memref<4x128xi32, #tpu.memory_space<vmem>> -> memref<1x128xi32, #tpu.memory_space<vmem>>
      %dma_start3A_195 = tpu.memref_squeeze %dma_start3A_194 : memref<1x128xi32, #tpu.memory_space<vmem>> -> memref<128xi32, #tpu.memory_space<vmem>>
      %dma_start3A_196 = tpu.memref_slice %arg2[%add3A_21] : memref<16384xi32, #tpu.memory_space<hbm>> -> memref<128xi32, #tpu.memory_space<hbm>>
      tpu.enqueue_dma source(%dma_start3A_196 : memref<128xi32, #tpu.memory_space<hbm>>) target(%dma_start3A_195 : memref<128xi32, #tpu.memory_space<vmem>>) target_semaphore(%run_scoped3A_188 : memref<!tpu.dma_semaphore, #tpu.memory_space<semaphore_mem>>)
      %dma_wait3A_197 = arith.constant 0 : i32
      %dma_wait3A_198 = tpu.memref_slice %arg7[%run_scoped3A_22, %dma_wait3A_197] : memref<4x128xi32, #tpu.memory_space<vmem>> -> memref<1x128xi32, #tpu.memory_space<vmem>>
      %dma_wait3A_199 = tpu.memref_squeeze %dma_wait3A_198 : memref<1x128xi32, #tpu.memory_space<vmem>> -> memref<128xi32, #tpu.memory_space<vmem>>
      %dma_wait3A_200 = tpu.memref_slice %arg2[%add3A_21] : memref<16384xi32, #tpu.memory_space<hbm>> -> memref<128xi32, #tpu.memory_space<hbm>>
      %dma_wait3A_201 = arith.constant 0 : i32
      %dma_wait3A_202 = tpu.memref_slice %arg7[%run_scoped3A_22, %dma_wait3A_201] : memref<4x128xi32, #tpu.memory_space<vmem>> -> memref<1x128xi32, #tpu.memory_space<vmem>>
      %dma_wait3A_203 = tpu.memref_squeeze %dma_wait3A_202 : memref<1x128xi32, #tpu.memory_space<vmem>> -> memref<128xi32, #tpu.memory_space<vmem>>
      %dma_wait3A_204 = tpu.memref_slice %arg2[%add3A_21] : memref<16384xi32, #tpu.memory_space<hbm>> -> memref<128xi32, #tpu.memory_space<hbm>>
      tpu.wait_dma2 semaphore(%run_scoped3A_188 : memref<!tpu.dma_semaphore, #tpu.memory_space<semaphore_mem>>) src(%dma_wait3A_204 : memref<128xi32, #tpu.memory_space<hbm>>) dst(%dma_wait3A_203 : memref<128xi32, #tpu.memory_space<vmem>>)
      tpu.yield
    }) : () -> ()
    %add3A_23 = arith.constant 384 : i32
    %add3A_24 = arith.addi %mul3A_2, %add3A_23 : i32
    %run_scoped3A_25 = arith.constant 3 : i32
    "tpu.region"() ({
      %run_scoped3A_188 = tpu.sem_alloc : memref<!tpu.dma_semaphore, #tpu.memory_space<semaphore_mem>>
      %dma_start3A_189 = arith.constant 0 : i32
      %dma_start3A_190 = tpu.memref_slice %arg8[%run_scoped3A_25, %dma_start3A_189] : memref<4x128xi32, #tpu.memory_space<vmem>> -> memref<1x128xi32, #tpu.memory_space<vmem>>
      %dma_start3A_191 = tpu.memref_squeeze %dma_start3A_190 : memref<1x128xi32, #tpu.memory_space<vmem>> -> memref<128xi32, #tpu.memory_space<vmem>>
      %dma_start3A_192 = tpu.memref_slice %arg3[%add3A_24] : memref<16384xi32, #tpu.memory_space<hbm>> -> memref<128xi32, #tpu.memory_space<hbm>>
      %dma_start3A_193 = arith.constant 0 : i32
      %dma_start3A_194 = tpu.memref_slice %arg8[%run_scoped3A_25, %dma_start3A_193] : memref<4x128xi32, #tpu.memory_space<vmem>> -> memref<1x128xi32, #tpu.memory_space<vmem>>
      %dma_start3A_195 = tpu.memref_squeeze %dma_start3A_194 : memref<1x128xi32, #tpu.memory_space<vmem>> -> memref<128xi32, #tpu.memory_space<vmem>>
      %dma_start3A_196 = tpu.memref_slice %arg3[%add3A_24] : memref<16384xi32, #tpu.memory_space<hbm>> -> memref<128xi32, #tpu.memory_space<hbm>>
      tpu.enqueue_dma source(%dma_start3A_196 : memref<128xi32, #tpu.memory_space<hbm>>) target(%dma_start3A_195 : memref<128xi32, #tpu.memory_space<vmem>>) target_semaphore(%run_scoped3A_188 : memref<!tpu.dma_semaphore, #tpu.memory_space<semaphore_mem>>)
      %dma_wait3A_197 = arith.constant 0 : i32
      %dma_wait3A_198 = tpu.memref_slice %arg8[%run_scoped3A_25, %dma_wait3A_197] : memref<4x128xi32, #tpu.memory_space<vmem>> -> memref<1x128xi32, #tpu.memory_space<vmem>>
      %dma_wait3A_199 = tpu.memref_squeeze %dma_wait3A_198 : memref<1x128xi32, #tpu.memory_space<vmem>> -> memref<128xi32, #tpu.memory_space<vmem>>
      %dma_wait3A_200 = tpu.memref_slice %arg3[%add3A_24] : memref<16384xi32, #tpu.memory_space<hbm>> -> memref<128xi32, #tpu.memory_space<hbm>>
      %dma_wait3A_201 = arith.constant 0 : i32
      %dma_wait3A_202 = tpu.memref_slice %arg8[%run_scoped3A_25, %dma_wait3A_201] : memref<4x128xi32, #tpu.memory_space<vmem>> -> memref<1x128xi32, #tpu.memory_space<vmem>>
      %dma_wait3A_203 = tpu.memref_squeeze %dma_wait3A_202 : memref<1x128xi32, #tpu.memory_space<vmem>> -> memref<128xi32, #tpu.memory_space<vmem>>
      %dma_wait3A_204 = tpu.memref_slice %arg3[%add3A_24] : memref<16384xi32, #tpu.memory_space<hbm>> -> memref<128xi32, #tpu.memory_space<hbm>>
      tpu.wait_dma2 semaphore(%run_scoped3A_188 : memref<!tpu.dma_semaphore, #tpu.memory_space<semaphore_mem>>) src(%dma_wait3A_204 : memref<128xi32, #tpu.memory_space<hbm>>) dst(%dma_wait3A_203 : memref<128xi32, #tpu.memory_space<vmem>>)
      tpu.yield
    }) : () -> ()
    %dma_start3A = arith.constant 0 : i32
    %dma_start3A_26 = arith.constant 0 : i32
    %dma_start3A_27 = arith.constant 0 : i32
    %dma_start3A_28 = tpu.memref_slice %arg9[%dma_start3A_26, %dma_start3A_27] : memref<512x64xf32, #tpu.memory_space<vmem>> -> memref<128x64xf32, #tpu.memory_space<vmem>>
    %dma_start3A_29 = arith.constant 0 : i32
    %dma_start3A_30 = tpu.memref_slice %arg7[%dma_start3A, %dma_start3A_29] : memref<4x128xi32, #tpu.memory_space<vmem>> -> memref<1x128xi32, #tpu.memory_space<vmem>>
    %dma_start3A_31 = tpu.memref_squeeze %dma_start3A_30 : memref<1x128xi32, #tpu.memory_space<vmem>> -> memref<128xi32, #tpu.memory_space<vmem>>
    %dma_start3A_32 = arith.constant 0 : i32
    %dma_start3A_33 = arith.constant 0 : i32
    %dma_start3A_34 = tpu.memref_slice %arg4[%dma_start3A_32, %dma_start3A_33] : memref<1000000x64xf32, #tpu.memory_space<hbm>> -> memref<1000000x64xf32, #tpu.memory_space<hbm>>
    tpu.enqueue_indirect_dma source(%dma_start3A_34 : memref<1000000x64xf32, #tpu.memory_space<hbm>>) target(%dma_start3A_28 : memref<128x64xf32, #tpu.memory_space<vmem>>) offsets(%dma_start3A_31 : memref<128xi32, #tpu.memory_space<vmem>>) semaphore(%arg12 : memref<!tpu.dma_semaphore, #tpu.memory_space<semaphore_mem>>)
    %dma_start3A_35 = arith.constant 0 : i32
    %dma_start3A_36 = arith.constant 0 : i32
    %dma_start3A_37 = arith.constant 0 : i32
    %dma_start3A_38 = tpu.memref_slice %arg10[%dma_start3A_36, %dma_start3A_37] : memref<512x64xf32, #tpu.memory_space<vmem>> -> memref<128x64xf32, #tpu.memory_space<vmem>>
    %dma_start3A_39 = arith.constant 0 : i32
    %dma_start3A_40 = tpu.memref_slice %arg8[%dma_start3A_35, %dma_start3A_39] : memref<4x128xi32, #tpu.memory_space<vmem>> -> memref<1x128xi32, #tpu.memory_space<vmem>>
    %dma_start3A_41 = tpu.memref_squeeze %dma_start3A_40 : memref<1x128xi32, #tpu.memory_space<vmem>> -> memref<128xi32, #tpu.memory_space<vmem>>
    %dma_start3A_42 = arith.constant 0 : i32
    %dma_start3A_43 = arith.constant 0 : i32
    %dma_start3A_44 = tpu.memref_slice %arg5[%dma_start3A_42, %dma_start3A_43] : memref<1000000x64xf32, #tpu.memory_space<hbm>> -> memref<1000000x64xf32, #tpu.memory_space<hbm>>
    tpu.enqueue_indirect_dma source(%dma_start3A_44 : memref<1000000x64xf32, #tpu.memory_space<hbm>>) target(%dma_start3A_38 : memref<128x64xf32, #tpu.memory_space<vmem>>) offsets(%dma_start3A_41 : memref<128xi32, #tpu.memory_space<vmem>>) semaphore(%arg13 : memref<!tpu.dma_semaphore, #tpu.memory_space<semaphore_mem>>)
    %dma_start3A_45 = arith.constant 1 : i32
    %dma_start3A_46 = arith.constant 128 : i32
    %dma_start3A_47 = arith.constant 0 : i32
    %dma_start3A_48 = tpu.memref_slice %arg9[%dma_start3A_46, %dma_start3A_47] : memref<512x64xf32, #tpu.memory_space<vmem>> -> memref<128x64xf32, #tpu.memory_space<vmem>>
    %dma_start3A_49 = arith.constant 0 : i32
    %dma_start3A_50 = tpu.memref_slice %arg7[%dma_start3A_45, %dma_start3A_49] : memref<4x128xi32, #tpu.memory_space<vmem>> -> memref<1x128xi32, #tpu.memory_space<vmem>>
    %dma_start3A_51 = tpu.memref_squeeze %dma_start3A_50 : memref<1x128xi32, #tpu.memory_space<vmem>> -> memref<128xi32, #tpu.memory_space<vmem>>
    %dma_start3A_52 = arith.constant 0 : i32
    %dma_start3A_53 = arith.constant 0 : i32
    %dma_start3A_54 = tpu.memref_slice %arg4[%dma_start3A_52, %dma_start3A_53] : memref<1000000x64xf32, #tpu.memory_space<hbm>> -> memref<1000000x64xf32, #tpu.memory_space<hbm>>
    tpu.enqueue_indirect_dma source(%dma_start3A_54 : memref<1000000x64xf32, #tpu.memory_space<hbm>>) target(%dma_start3A_48 : memref<128x64xf32, #tpu.memory_space<vmem>>) offsets(%dma_start3A_51 : memref<128xi32, #tpu.memory_space<vmem>>) semaphore(%arg12 : memref<!tpu.dma_semaphore, #tpu.memory_space<semaphore_mem>>)
    %dma_start3A_55 = arith.constant 1 : i32
    %dma_start3A_56 = arith.constant 128 : i32
    %dma_start3A_57 = arith.constant 0 : i32
    %dma_start3A_58 = tpu.memref_slice %arg10[%dma_start3A_56, %dma_start3A_57] : memref<512x64xf32, #tpu.memory_space<vmem>> -> memref<128x64xf32, #tpu.memory_space<vmem>>
    %dma_start3A_59 = arith.constant 0 : i32
    %dma_start3A_60 = tpu.memref_slice %arg8[%dma_start3A_55, %dma_start3A_59] : memref<4x128xi32, #tpu.memory_space<vmem>> -> memref<1x128xi32, #tpu.memory_space<vmem>>
    %dma_start3A_61 = tpu.memref_squeeze %dma_start3A_60 : memref<1x128xi32, #tpu.memory_space<vmem>> -> memref<128xi32, #tpu.memory_space<vmem>>
    %dma_start3A_62 = arith.constant 0 : i32
    %dma_start3A_63 = arith.constant 0 : i32
    %dma_start3A_64 = tpu.memref_slice %arg5[%dma_start3A_62, %dma_start3A_63] : memref<1000000x64xf32, #tpu.memory_space<hbm>> -> memref<1000000x64xf32, #tpu.memory_space<hbm>>
    tpu.enqueue_indirect_dma source(%dma_start3A_64 : memref<1000000x64xf32, #tpu.memory_space<hbm>>) target(%dma_start3A_58 : memref<128x64xf32, #tpu.memory_space<vmem>>) offsets(%dma_start3A_61 : memref<128xi32, #tpu.memory_space<vmem>>) semaphore(%arg13 : memref<!tpu.dma_semaphore, #tpu.memory_space<semaphore_mem>>)
    %dma_start3A_65 = arith.constant 2 : i32
    %dma_start3A_66 = arith.constant 256 : i32
    %dma_start3A_67 = arith.constant 0 : i32
    %dma_start3A_68 = tpu.memref_slice %arg9[%dma_start3A_66, %dma_start3A_67] : memref<512x64xf32, #tpu.memory_space<vmem>> -> memref<128x64xf32, #tpu.memory_space<vmem>>
    %dma_start3A_69 = arith.constant 0 : i32
    %dma_start3A_70 = tpu.memref_slice %arg7[%dma_start3A_65, %dma_start3A_69] : memref<4x128xi32, #tpu.memory_space<vmem>> -> memref<1x128xi32, #tpu.memory_space<vmem>>
    %dma_start3A_71 = tpu.memref_squeeze %dma_start3A_70 : memref<1x128xi32, #tpu.memory_space<vmem>> -> memref<128xi32, #tpu.memory_space<vmem>>
    %dma_start3A_72 = arith.constant 0 : i32
    %dma_start3A_73 = arith.constant 0 : i32
    %dma_start3A_74 = tpu.memref_slice %arg4[%dma_start3A_72, %dma_start3A_73] : memref<1000000x64xf32, #tpu.memory_space<hbm>> -> memref<1000000x64xf32, #tpu.memory_space<hbm>>
    tpu.enqueue_indirect_dma source(%dma_start3A_74 : memref<1000000x64xf32, #tpu.memory_space<hbm>>) target(%dma_start3A_68 : memref<128x64xf32, #tpu.memory_space<vmem>>) offsets(%dma_start3A_71 : memref<128xi32, #tpu.memory_space<vmem>>) semaphore(%arg12 : memref<!tpu.dma_semaphore, #tpu.memory_space<semaphore_mem>>)
    %dma_start3A_75 = arith.constant 2 : i32
    %dma_start3A_76 = arith.constant 256 : i32
    %dma_start3A_77 = arith.constant 0 : i32
    %dma_start3A_78 = tpu.memref_slice %arg10[%dma_start3A_76, %dma_start3A_77] : memref<512x64xf32, #tpu.memory_space<vmem>> -> memref<128x64xf32, #tpu.memory_space<vmem>>
    %dma_start3A_79 = arith.constant 0 : i32
    %dma_start3A_80 = tpu.memref_slice %arg8[%dma_start3A_75, %dma_start3A_79] : memref<4x128xi32, #tpu.memory_space<vmem>> -> memref<1x128xi32, #tpu.memory_space<vmem>>
    %dma_start3A_81 = tpu.memref_squeeze %dma_start3A_80 : memref<1x128xi32, #tpu.memory_space<vmem>> -> memref<128xi32, #tpu.memory_space<vmem>>
    %dma_start3A_82 = arith.constant 0 : i32
    %dma_start3A_83 = arith.constant 0 : i32
    %dma_start3A_84 = tpu.memref_slice %arg5[%dma_start3A_82, %dma_start3A_83] : memref<1000000x64xf32, #tpu.memory_space<hbm>> -> memref<1000000x64xf32, #tpu.memory_space<hbm>>
    tpu.enqueue_indirect_dma source(%dma_start3A_84 : memref<1000000x64xf32, #tpu.memory_space<hbm>>) target(%dma_start3A_78 : memref<128x64xf32, #tpu.memory_space<vmem>>) offsets(%dma_start3A_81 : memref<128xi32, #tpu.memory_space<vmem>>) semaphore(%arg13 : memref<!tpu.dma_semaphore, #tpu.memory_space<semaphore_mem>>)
    %dma_start3A_85 = arith.constant 3 : i32
    %dma_start3A_86 = arith.constant 384 : i32
    %dma_start3A_87 = arith.constant 0 : i32
    %dma_start3A_88 = tpu.memref_slice %arg9[%dma_start3A_86, %dma_start3A_87] : memref<512x64xf32, #tpu.memory_space<vmem>> -> memref<128x64xf32, #tpu.memory_space<vmem>>
    %dma_start3A_89 = arith.constant 0 : i32
    %dma_start3A_90 = tpu.memref_slice %arg7[%dma_start3A_85, %dma_start3A_89] : memref<4x128xi32, #tpu.memory_space<vmem>> -> memref<1x128xi32, #tpu.memory_space<vmem>>
    %dma_start3A_91 = tpu.memref_squeeze %dma_start3A_90 : memref<1x128xi32, #tpu.memory_space<vmem>> -> memref<128xi32, #tpu.memory_space<vmem>>
    %dma_start3A_92 = arith.constant 0 : i32
    %dma_start3A_93 = arith.constant 0 : i32
    %dma_start3A_94 = tpu.memref_slice %arg4[%dma_start3A_92, %dma_start3A_93] : memref<1000000x64xf32, #tpu.memory_space<hbm>> -> memref<1000000x64xf32, #tpu.memory_space<hbm>>
    tpu.enqueue_indirect_dma source(%dma_start3A_94 : memref<1000000x64xf32, #tpu.memory_space<hbm>>) target(%dma_start3A_88 : memref<128x64xf32, #tpu.memory_space<vmem>>) offsets(%dma_start3A_91 : memref<128xi32, #tpu.memory_space<vmem>>) semaphore(%arg12 : memref<!tpu.dma_semaphore, #tpu.memory_space<semaphore_mem>>)
    %dma_start3A_95 = arith.constant 3 : i32
    %dma_start3A_96 = arith.constant 384 : i32
    %dma_start3A_97 = arith.constant 0 : i32
    %dma_start3A_98 = tpu.memref_slice %arg10[%dma_start3A_96, %dma_start3A_97] : memref<512x64xf32, #tpu.memory_space<vmem>> -> memref<128x64xf32, #tpu.memory_space<vmem>>
    %dma_start3A_99 = arith.constant 0 : i32
    %dma_start3A_100 = tpu.memref_slice %arg8[%dma_start3A_95, %dma_start3A_99] : memref<4x128xi32, #tpu.memory_space<vmem>> -> memref<1x128xi32, #tpu.memory_space<vmem>>
    %dma_start3A_101 = tpu.memref_squeeze %dma_start3A_100 : memref<1x128xi32, #tpu.memory_space<vmem>> -> memref<128xi32, #tpu.memory_space<vmem>>
    %dma_start3A_102 = arith.constant 0 : i32
    %dma_start3A_103 = arith.constant 0 : i32
    %dma_start3A_104 = tpu.memref_slice %arg5[%dma_start3A_102, %dma_start3A_103] : memref<1000000x64xf32, #tpu.memory_space<hbm>> -> memref<1000000x64xf32, #tpu.memory_space<hbm>>
    tpu.enqueue_indirect_dma source(%dma_start3A_104 : memref<1000000x64xf32, #tpu.memory_space<hbm>>) target(%dma_start3A_98 : memref<128x64xf32, #tpu.memory_space<vmem>>) offsets(%dma_start3A_101 : memref<128xi32, #tpu.memory_space<vmem>>) semaphore(%arg13 : memref<!tpu.dma_semaphore, #tpu.memory_space<semaphore_mem>>)
    %dma_wait3A = arith.constant 0 : i32
    %dma_wait3A_105 = arith.constant 0 : i32
    %dma_wait3A_106 = arith.constant 0 : i32
    %dma_wait3A_107 = tpu.memref_slice %arg9[%dma_wait3A_105, %dma_wait3A_106] : memref<512x64xf32, #tpu.memory_space<vmem>> -> memref<128x64xf32, #tpu.memory_space<vmem>>
    %dma_wait3A_108 = arith.constant 0 : i32
    %dma_wait3A_109 = tpu.memref_slice %arg7[%dma_wait3A, %dma_wait3A_108] : memref<4x128xi32, #tpu.memory_space<vmem>> -> memref<1x128xi32, #tpu.memory_space<vmem>>
    %dma_wait3A_110 = tpu.memref_squeeze %dma_wait3A_109 : memref<1x128xi32, #tpu.memory_space<vmem>> -> memref<128xi32, #tpu.memory_space<vmem>>
    %dma_wait3A_111 = arith.constant 0 : i32
    %dma_wait3A_112 = arith.constant 0 : i32
    %dma_wait3A_113 = tpu.memref_slice %arg4[%dma_wait3A_111, %dma_wait3A_112] : memref<1000000x64xf32, #tpu.memory_space<hbm>> -> memref<1000000x64xf32, #tpu.memory_space<hbm>>
    tpu.wait_indirect_dma semaphore(%arg12 : memref<!tpu.dma_semaphore, #tpu.memory_space<semaphore_mem>>) src(%dma_wait3A_113 : memref<1000000x64xf32, #tpu.memory_space<hbm>>) dst(%dma_wait3A_107 : memref<128x64xf32, #tpu.memory_space<vmem>>)
    %dma_wait3A_114 = arith.constant 0 : i32
    %dma_wait3A_115 = arith.constant 0 : i32
    %dma_wait3A_116 = arith.constant 0 : i32
    %dma_wait3A_117 = tpu.memref_slice %arg10[%dma_wait3A_115, %dma_wait3A_116] : memref<512x64xf32, #tpu.memory_space<vmem>> -> memref<128x64xf32, #tpu.memory_space<vmem>>
    %dma_wait3A_118 = arith.constant 0 : i32
    %dma_wait3A_119 = tpu.memref_slice %arg8[%dma_wait3A_114, %dma_wait3A_118] : memref<4x128xi32, #tpu.memory_space<vmem>> -> memref<1x128xi32, #tpu.memory_space<vmem>>
    %dma_wait3A_120 = tpu.memref_squeeze %dma_wait3A_119 : memref<1x128xi32, #tpu.memory_space<vmem>> -> memref<128xi32, #tpu.memory_space<vmem>>
    %dma_wait3A_121 = arith.constant 0 : i32
    %dma_wait3A_122 = arith.constant 0 : i32
    %dma_wait3A_123 = tpu.memref_slice %arg5[%dma_wait3A_121, %dma_wait3A_122] : memref<1000000x64xf32, #tpu.memory_space<hbm>> -> memref<1000000x64xf32, #tpu.memory_space<hbm>>
    tpu.wait_indirect_dma semaphore(%arg13 : memref<!tpu.dma_semaphore, #tpu.memory_space<semaphore_mem>>) src(%dma_wait3A_123 : memref<1000000x64xf32, #tpu.memory_space<hbm>>) dst(%dma_wait3A_117 : memref<128x64xf32, #tpu.memory_space<vmem>>)
    %dma_wait3A_124 = arith.constant 1 : i32
    %dma_wait3A_125 = arith.constant 128 : i32
    %dma_wait3A_126 = arith.constant 0 : i32
    %dma_wait3A_127 = tpu.memref_slice %arg9[%dma_wait3A_125, %dma_wait3A_126] : memref<512x64xf32, #tpu.memory_space<vmem>> -> memref<128x64xf32, #tpu.memory_space<vmem>>
    %dma_wait3A_128 = arith.constant 0 : i32
    %dma_wait3A_129 = tpu.memref_slice %arg7[%dma_wait3A_124, %dma_wait3A_128] : memref<4x128xi32, #tpu.memory_space<vmem>> -> memref<1x128xi32, #tpu.memory_space<vmem>>
    %dma_wait3A_130 = tpu.memref_squeeze %dma_wait3A_129 : memref<1x128xi32, #tpu.memory_space<vmem>> -> memref<128xi32, #tpu.memory_space<vmem>>
    %dma_wait3A_131 = arith.constant 0 : i32
    %dma_wait3A_132 = arith.constant 0 : i32
    %dma_wait3A_133 = tpu.memref_slice %arg4[%dma_wait3A_131, %dma_wait3A_132] : memref<1000000x64xf32, #tpu.memory_space<hbm>> -> memref<1000000x64xf32, #tpu.memory_space<hbm>>
    tpu.wait_indirect_dma semaphore(%arg12 : memref<!tpu.dma_semaphore, #tpu.memory_space<semaphore_mem>>) src(%dma_wait3A_133 : memref<1000000x64xf32, #tpu.memory_space<hbm>>) dst(%dma_wait3A_127 : memref<128x64xf32, #tpu.memory_space<vmem>>)
    %dma_wait3A_134 = arith.constant 1 : i32
    %dma_wait3A_135 = arith.constant 128 : i32
    %dma_wait3A_136 = arith.constant 0 : i32
    %dma_wait3A_137 = tpu.memref_slice %arg10[%dma_wait3A_135, %dma_wait3A_136] : memref<512x64xf32, #tpu.memory_space<vmem>> -> memref<128x64xf32, #tpu.memory_space<vmem>>
    %dma_wait3A_138 = arith.constant 0 : i32
    %dma_wait3A_139 = tpu.memref_slice %arg8[%dma_wait3A_134, %dma_wait3A_138] : memref<4x128xi32, #tpu.memory_space<vmem>> -> memref<1x128xi32, #tpu.memory_space<vmem>>
    %dma_wait3A_140 = tpu.memref_squeeze %dma_wait3A_139 : memref<1x128xi32, #tpu.memory_space<vmem>> -> memref<128xi32, #tpu.memory_space<vmem>>
    %dma_wait3A_141 = arith.constant 0 : i32
    %dma_wait3A_142 = arith.constant 0 : i32
    %dma_wait3A_143 = tpu.memref_slice %arg5[%dma_wait3A_141, %dma_wait3A_142] : memref<1000000x64xf32, #tpu.memory_space<hbm>> -> memref<1000000x64xf32, #tpu.memory_space<hbm>>
    tpu.wait_indirect_dma semaphore(%arg13 : memref<!tpu.dma_semaphore, #tpu.memory_space<semaphore_mem>>) src(%dma_wait3A_143 : memref<1000000x64xf32, #tpu.memory_space<hbm>>) dst(%dma_wait3A_137 : memref<128x64xf32, #tpu.memory_space<vmem>>)
    %dma_wait3A_144 = arith.constant 2 : i32
    %dma_wait3A_145 = arith.constant 256 : i32
    %dma_wait3A_146 = arith.constant 0 : i32
    %dma_wait3A_147 = tpu.memref_slice %arg9[%dma_wait3A_145, %dma_wait3A_146] : memref<512x64xf32, #tpu.memory_space<vmem>> -> memref<128x64xf32, #tpu.memory_space<vmem>>
    %dma_wait3A_148 = arith.constant 0 : i32
    %dma_wait3A_149 = tpu.memref_slice %arg7[%dma_wait3A_144, %dma_wait3A_148] : memref<4x128xi32, #tpu.memory_space<vmem>> -> memref<1x128xi32, #tpu.memory_space<vmem>>
    %dma_wait3A_150 = tpu.memref_squeeze %dma_wait3A_149 : memref<1x128xi32, #tpu.memory_space<vmem>> -> memref<128xi32, #tpu.memory_space<vmem>>
    %dma_wait3A_151 = arith.constant 0 : i32
    %dma_wait3A_152 = arith.constant 0 : i32
    %dma_wait3A_153 = tpu.memref_slice %arg4[%dma_wait3A_151, %dma_wait3A_152] : memref<1000000x64xf32, #tpu.memory_space<hbm>> -> memref<1000000x64xf32, #tpu.memory_space<hbm>>
    tpu.wait_indirect_dma semaphore(%arg12 : memref<!tpu.dma_semaphore, #tpu.memory_space<semaphore_mem>>) src(%dma_wait3A_153 : memref<1000000x64xf32, #tpu.memory_space<hbm>>) dst(%dma_wait3A_147 : memref<128x64xf32, #tpu.memory_space<vmem>>)
    %dma_wait3A_154 = arith.constant 2 : i32
    %dma_wait3A_155 = arith.constant 256 : i32
    %dma_wait3A_156 = arith.constant 0 : i32
    %dma_wait3A_157 = tpu.memref_slice %arg10[%dma_wait3A_155, %dma_wait3A_156] : memref<512x64xf32, #tpu.memory_space<vmem>> -> memref<128x64xf32, #tpu.memory_space<vmem>>
    %dma_wait3A_158 = arith.constant 0 : i32
    %dma_wait3A_159 = tpu.memref_slice %arg8[%dma_wait3A_154, %dma_wait3A_158] : memref<4x128xi32, #tpu.memory_space<vmem>> -> memref<1x128xi32, #tpu.memory_space<vmem>>
    %dma_wait3A_160 = tpu.memref_squeeze %dma_wait3A_159 : memref<1x128xi32, #tpu.memory_space<vmem>> -> memref<128xi32, #tpu.memory_space<vmem>>
    %dma_wait3A_161 = arith.constant 0 : i32
    %dma_wait3A_162 = arith.constant 0 : i32
    %dma_wait3A_163 = tpu.memref_slice %arg5[%dma_wait3A_161, %dma_wait3A_162] : memref<1000000x64xf32, #tpu.memory_space<hbm>> -> memref<1000000x64xf32, #tpu.memory_space<hbm>>
    tpu.wait_indirect_dma semaphore(%arg13 : memref<!tpu.dma_semaphore, #tpu.memory_space<semaphore_mem>>) src(%dma_wait3A_163 : memref<1000000x64xf32, #tpu.memory_space<hbm>>) dst(%dma_wait3A_157 : memref<128x64xf32, #tpu.memory_space<vmem>>)
    %dma_wait3A_164 = arith.constant 3 : i32
    %dma_wait3A_165 = arith.constant 384 : i32
    %dma_wait3A_166 = arith.constant 0 : i32
    %dma_wait3A_167 = tpu.memref_slice %arg9[%dma_wait3A_165, %dma_wait3A_166] : memref<512x64xf32, #tpu.memory_space<vmem>> -> memref<128x64xf32, #tpu.memory_space<vmem>>
    %dma_wait3A_168 = arith.constant 0 : i32
    %dma_wait3A_169 = tpu.memref_slice %arg7[%dma_wait3A_164, %dma_wait3A_168] : memref<4x128xi32, #tpu.memory_space<vmem>> -> memref<1x128xi32, #tpu.memory_space<vmem>>
    %dma_wait3A_170 = tpu.memref_squeeze %dma_wait3A_169 : memref<1x128xi32, #tpu.memory_space<vmem>> -> memref<128xi32, #tpu.memory_space<vmem>>
    %dma_wait3A_171 = arith.constant 0 : i32
    %dma_wait3A_172 = arith.constant 0 : i32
    %dma_wait3A_173 = tpu.memref_slice %arg4[%dma_wait3A_171, %dma_wait3A_172] : memref<1000000x64xf32, #tpu.memory_space<hbm>> -> memref<1000000x64xf32, #tpu.memory_space<hbm>>
    tpu.wait_indirect_dma semaphore(%arg12 : memref<!tpu.dma_semaphore, #tpu.memory_space<semaphore_mem>>) src(%dma_wait3A_173 : memref<1000000x64xf32, #tpu.memory_space<hbm>>) dst(%dma_wait3A_167 : memref<128x64xf32, #tpu.memory_space<vmem>>)
    %dma_wait3A_174 = arith.constant 3 : i32
    %dma_wait3A_175 = arith.constant 384 : i32
    %dma_wait3A_176 = arith.constant 0 : i32
    %dma_wait3A_177 = tpu.memref_slice %arg10[%dma_wait3A_175, %dma_wait3A_176] : memref<512x64xf32, #tpu.memory_space<vmem>> -> memref<128x64xf32, #tpu.memory_space<vmem>>
    %dma_wait3A_178 = arith.constant 0 : i32
    %dma_wait3A_179 = tpu.memref_slice %arg8[%dma_wait3A_174, %dma_wait3A_178] : memref<4x128xi32, #tpu.memory_space<vmem>> -> memref<1x128xi32, #tpu.memory_space<vmem>>
    %dma_wait3A_180 = tpu.memref_squeeze %dma_wait3A_179 : memref<1x128xi32, #tpu.memory_space<vmem>> -> memref<128xi32, #tpu.memory_space<vmem>>
    %dma_wait3A_181 = arith.constant 0 : i32
    %dma_wait3A_182 = arith.constant 0 : i32
    %dma_wait3A_183 = tpu.memref_slice %arg5[%dma_wait3A_181, %dma_wait3A_182] : memref<1000000x64xf32, #tpu.memory_space<hbm>> -> memref<1000000x64xf32, #tpu.memory_space<hbm>>
    tpu.wait_indirect_dma semaphore(%arg13 : memref<!tpu.dma_semaphore, #tpu.memory_space<semaphore_mem>>) src(%dma_wait3A_183 : memref<1000000x64xf32, #tpu.memory_space<hbm>>) dst(%dma_wait3A_177 : memref<128x64xf32, #tpu.memory_space<vmem>>)
    %iota3A = tpu.iota {dimensions = array<i32: 0>} : vector<16xi32>
    %scan3A = arith.constant 0 : i32
    %scan3A_184 = arith.constant 32 : i32
    %scan3A_185 = arith.addi %scan3A, %scan3A_184 : i32
    %scan3A_186 = arith.constant 1 : i32
    scf.for %scan3A_188 = %scan3A to %scan3A_185 step %scan3A_186  : i32 {
      %mul3A_189 = arith.constant 16 : i32
      %mul3A_190 = arith.muli %scan3A_188, %mul3A_189 : i32
      %add3A_191 = arith.constant 0 : i32
      %add3A_192 = arith.addi %mul3A_190, %add3A_191 : i32
      %get3A = arith.index_cast %add3A_192 : i32 to index
      %get3A_193 = arith.constant 0 : index
      %get3A_194 = tpu.vector_load %arg9[%get3A, %get3A_193] {strides = array<i32>} : memref<512x64xf32, #tpu.memory_space<vmem>>, vector<1x16xf32>,
      %get3A_195 = vector.shape_cast %get3A_194 : vector<1x16xf32> to vector<16xf32>
      %add3A_196 = arith.constant 0 : i32
      %add3A_197 = arith.addi %mul3A_190, %add3A_196 : i32
      %get3A_198 = arith.index_cast %add3A_197 : i32 to index
      %get3A_199 = arith.constant 0 : index
      %get3A_200 = tpu.vector_load %arg10[%get3A_198, %get3A_199] {strides = array<i32>} : memref<512x64xf32, #tpu.memory_space<vmem>>, vector<1x16xf32>,
      %get3A_201 = vector.shape_cast %get3A_200 : vector<1x16xf32> to vector<16xf32>
      %mul3A_202 = arith.mulf %get3A_195, %get3A_201 : vector<16xf32>
      %add3A_203 = arith.constant 0 : i32
      %add3A_204 = arith.addi %mul3A_190, %add3A_203 : i32
      %get3A_205 = arith.index_cast %add3A_204 : i32 to index
      %get3A_206 = arith.constant 16 : index
      %get3A_207 = tpu.vector_load %arg9[%get3A_205, %get3A_206] {strides = array<i32>} : memref<512x64xf32, #tpu.memory_space<vmem>>, vector<1x16xf32>,
      %get3A_208 = vector.shape_cast %get3A_207 : vector<1x16xf32> to vector<16xf32>
      %add3A_209 = arith.constant 0 : i32
      %add3A_210 = arith.addi %mul3A_190, %add3A_209 : i32
      %get3A_211 = arith.index_cast %add3A_210 : i32 to index
      %get3A_212 = arith.constant 16 : index
      %get3A_213 = tpu.vector_load %arg10[%get3A_211, %get3A_212] {strides = array<i32>} : memref<512x64xf32, #tpu.memory_space<vmem>>, vector<1x16xf32>,
      %get3A_214 = vector.shape_cast %get3A_213 : vector<1x16xf32> to vector<16xf32>
      %mul3A_215 = arith.mulf %get3A_208, %get3A_214 : vector<16xf32>
      %add3A_216 = arith.addf %mul3A_202, %mul3A_215 : vector<16xf32>
      %add3A_217 = arith.constant 0 : i32
      %add3A_218 = arith.addi %mul3A_190, %add3A_217 : i32
      %get3A_219 = arith.index_cast %add3A_218 : i32 to index
      %get3A_220 = arith.constant 32 : index
      %get3A_221 = tpu.vector_load %arg9[%get3A_219, %get3A_220] {strides = array<i32>} : memref<512x64xf32, #tpu.memory_space<vmem>>, vector<1x16xf32>,
      %get3A_222 = vector.shape_cast %get3A_221 : vector<1x16xf32> to vector<16xf32>
      %add3A_223 = arith.constant 0 : i32
      %add3A_224 = arith.addi %mul3A_190, %add3A_223 : i32
      %get3A_225 = arith.index_cast %add3A_224 : i32 to index
      %get3A_226 = arith.constant 32 : index
      %get3A_227 = tpu.vector_load %arg10[%get3A_225, %get3A_226] {strides = array<i32>} : memref<512x64xf32, #tpu.memory_space<vmem>>, vector<1x16xf32>,
      %get3A_228 = vector.shape_cast %get3A_227 : vector<1x16xf32> to vector<16xf32>
      %mul3A_229 = arith.mulf %get3A_222, %get3A_228 : vector<16xf32>
      %add3A_230 = arith.addf %add3A_216, %mul3A_229 : vector<16xf32>
      %add3A_231 = arith.constant 0 : i32
      %add3A_232 = arith.addi %mul3A_190, %add3A_231 : i32
      %get3A_233 = arith.index_cast %add3A_232 : i32 to index
      %get3A_234 = arith.constant 48 : index
      %get3A_235 = tpu.vector_load %arg9[%get3A_233, %get3A_234] {strides = array<i32>} : memref<512x64xf32, #tpu.memory_space<vmem>>, vector<1x16xf32>,
      %get3A_236 = vector.shape_cast %get3A_235 : vector<1x16xf32> to vector<16xf32>
      %add3A_237 = arith.constant 0 : i32
      %add3A_238 = arith.addi %mul3A_190, %add3A_237 : i32
      %get3A_239 = arith.index_cast %add3A_238 : i32 to index
      %get3A_240 = arith.constant 48 : index
      %get3A_241 = tpu.vector_load %arg10[%get3A_239, %get3A_240] {strides = array<i32>} : memref<512x64xf32, #tpu.memory_space<vmem>>, vector<1x16xf32>,
      %get3A_242 = vector.shape_cast %get3A_241 : vector<1x16xf32> to vector<16xf32>
      %mul3A_243 = arith.mulf %get3A_236, %get3A_242 : vector<16xf32>
      %add3A_244 = arith.addf %add3A_230, %mul3A_243 : vector<16xf32>
      %add3A_245 = arith.constant 1 : i32
      %add3A_246 = arith.addi %mul3A_190, %add3A_245 : i32
      %get3A_247 = arith.index_cast %add3A_246 : i32 to index
      %get3A_248 = arith.constant 0 : index
      %get3A_249 = tpu.vector_load %arg9[%get3A_247, %get3A_248] {strides = array<i32>} : memref<512x64xf32, #tpu.memory_space<vmem>>, vector<1x16xf32>,
      %get3A_250 = vector.shape_cast %get3A_249 : vector<1x16xf32> to vector<16xf32>
      %add3A_251 = arith.constant 1 : i32
      %add3A_252 = arith.addi %mul3A_190, %add3A_251 : i32
      %get3A_253 = arith.index_cast %add3A_252 : i32 to index
      %get3A_254 = arith.constant 0 : index
      %get3A_255 = tpu.vector_load %arg10[%get3A_253, %get3A_254] {strides = array<i32>} : memref<512x64xf32, #tpu.memory_space<vmem>>, vector<1x16xf32>,
      %get3A_256 = vector.shape_cast %get3A_255 : vector<1x16xf32> to vector<16xf32>
      %mul3A_257 = arith.mulf %get3A_250, %get3A_256 : vector<16xf32>
      %add3A_258 = arith.constant 1 : i32
      %add3A_259 = arith.addi %mul3A_190, %add3A_258 : i32
      %get3A_260 = arith.index_cast %add3A_259 : i32 to index
      %get3A_261 = arith.constant 16 : index
      %get3A_262 = tpu.vector_load %arg9[%get3A_260, %get3A_261] {strides = array<i32>} : memref<512x64xf32, #tpu.memory_space<vmem>>, vector<1x16xf32>,
      %get3A_263 = vector.shape_cast %get3A_262 : vector<1x16xf32> to vector<16xf32>
      %add3A_264 = arith.constant 1 : i32
      %add3A_265 = arith.addi %mul3A_190, %add3A_264 : i32
      %get3A_266 = arith.index_cast %add3A_265 : i32 to index
      %get3A_267 = arith.constant 16 : index
      %get3A_268 = tpu.vector_load %arg10[%get3A_266, %get3A_267] {strides = array<i32>} : memref<512x64xf32, #tpu.memory_space<vmem>>, vector<1x16xf32>,
      %get3A_269 = vector.shape_cast %get3A_268 : vector<1x16xf32> to vector<16xf32>
      %mul3A_270 = arith.mulf %get3A_263, %get3A_269 : vector<16xf32>
      %add3A_271 = arith.addf %mul3A_257, %mul3A_270 : vector<16xf32>
      %add3A_272 = arith.constant 1 : i32
      %add3A_273 = arith.addi %mul3A_190, %add3A_272 : i32
      %get3A_274 = arith.index_cast %add3A_273 : i32 to index
      %get3A_275 = arith.constant 32 : index
      %get3A_276 = tpu.vector_load %arg9[%get3A_274, %get3A_275] {strides = array<i32>} : memref<512x64xf32, #tpu.memory_space<vmem>>, vector<1x16xf32>,
      %get3A_277 = vector.shape_cast %get3A_276 : vector<1x16xf32> to vector<16xf32>
      %add3A_278 = arith.constant 1 : i32
      %add3A_279 = arith.addi %mul3A_190, %add3A_278 : i32
      %get3A_280 = arith.index_cast %add3A_279 : i32 to index
      %get3A_281 = arith.constant 32 : index
      %get3A_282 = tpu.vector_load %arg10[%get3A_280, %get3A_281] {strides = array<i32>} : memref<512x64xf32, #tpu.memory_space<vmem>>, vector<1x16xf32>,
      %get3A_283 = vector.shape_cast %get3A_282 : vector<1x16xf32> to vector<16xf32>
      %mul3A_284 = arith.mulf %get3A_277, %get3A_283 : vector<16xf32>
      %add3A_285 = arith.addf %add3A_271, %mul3A_284 : vector<16xf32>
      %add3A_286 = arith.constant 1 : i32
      %add3A_287 = arith.addi %mul3A_190, %add3A_286 : i32
      %get3A_288 = arith.index_cast %add3A_287 : i32 to index
      %get3A_289 = arith.constant 48 : index
      %get3A_290 = tpu.vector_load %arg9[%get3A_288, %get3A_289] {strides = array<i32>} : memref<512x64xf32, #tpu.memory_space<vmem>>, vector<1x16xf32>,
      %get3A_291 = vector.shape_cast %get3A_290 : vector<1x16xf32> to vector<16xf32>
      %add3A_292 = arith.constant 1 : i32
      %add3A_293 = arith.addi %mul3A_190, %add3A_292 : i32
      %get3A_294 = arith.index_cast %add3A_293 : i32 to index
      %get3A_295 = arith.constant 48 : index
      %get3A_296 = tpu.vector_load %arg10[%get3A_294, %get3A_295] {strides = array<i32>} : memref<512x64xf32, #tpu.memory_space<vmem>>, vector<1x16xf32>,
      %get3A_297 = vector.shape_cast %get3A_296 : vector<1x16xf32> to vector<16xf32>
      %mul3A_298 = arith.mulf %get3A_291, %get3A_297 : vector<16xf32>
      %add3A_299 = arith.addf %add3A_285, %mul3A_298 : vector<16xf32>
      %add3A_300 = arith.constant 2 : i32
      %add3A_301 = arith.addi %mul3A_190, %add3A_300 : i32
      %get3A_302 = arith.index_cast %add3A_301 : i32 to index
      %get3A_303 = arith.constant 0 : index
      %get3A_304 = tpu.vector_load %arg9[%get3A_302, %get3A_303] {strides = array<i32>} : memref<512x64xf32, #tpu.memory_space<vmem>>, vector<1x16xf32>,
      %get3A_305 = vector.shape_cast %get3A_304 : vector<1x16xf32> to vector<16xf32>
      %add3A_306 = arith.constant 2 : i32
      %add3A_307 = arith.addi %mul3A_190, %add3A_306 : i32
      %get3A_308 = arith.index_cast %add3A_307 : i32 to index
      %get3A_309 = arith.constant 0 : index
      %get3A_310 = tpu.vector_load %arg10[%get3A_308, %get3A_309] {strides = array<i32>} : memref<512x64xf32, #tpu.memory_space<vmem>>, vector<1x16xf32>,
      %get3A_311 = vector.shape_cast %get3A_310 : vector<1x16xf32> to vector<16xf32>
      %mul3A_312 = arith.mulf %get3A_305, %get3A_311 : vector<16xf32>
      %add3A_313 = arith.constant 2 : i32
      %add3A_314 = arith.addi %mul3A_190, %add3A_313 : i32
      %get3A_315 = arith.index_cast %add3A_314 : i32 to index
      %get3A_316 = arith.constant 16 : index
      %get3A_317 = tpu.vector_load %arg9[%get3A_315, %get3A_316] {strides = array<i32>} : memref<512x64xf32, #tpu.memory_space<vmem>>, vector<1x16xf32>,
      %get3A_318 = vector.shape_cast %get3A_317 : vector<1x16xf32> to vector<16xf32>
      %add3A_319 = arith.constant 2 : i32
      %add3A_320 = arith.addi %mul3A_190, %add3A_319 : i32
      %get3A_321 = arith.index_cast %add3A_320 : i32 to index
      %get3A_322 = arith.constant 16 : index
      %get3A_323 = tpu.vector_load %arg10[%get3A_321, %get3A_322] {strides = array<i32>} : memref<512x64xf32, #tpu.memory_space<vmem>>, vector<1x16xf32>,
      %get3A_324 = vector.shape_cast %get3A_323 : vector<1x16xf32> to vector<16xf32>
      %mul3A_325 = arith.mulf %get3A_318, %get3A_324 : vector<16xf32>
      %add3A_326 = arith.addf %mul3A_312, %mul3A_325 : vector<16xf32>
      %add3A_327 = arith.constant 2 : i32
      %add3A_328 = arith.addi %mul3A_190, %add3A_327 : i32
      %get3A_329 = arith.index_cast %add3A_328 : i32 to index
      %get3A_330 = arith.constant 32 : index
      %get3A_331 = tpu.vector_load %arg9[%get3A_329, %get3A_330] {strides = array<i32>} : memref<512x64xf32, #tpu.memory_space<vmem>>, vector<1x16xf32>,
      %get3A_332 = vector.shape_cast %get3A_331 : vector<1x16xf32> to vector<16xf32>
      %add3A_333 = arith.constant 2 : i32
      %add3A_334 = arith.addi %mul3A_190, %add3A_333 : i32
      %get3A_335 = arith.index_cast %add3A_334 : i32 to index
      %get3A_336 = arith.constant 32 : index
      %get3A_337 = tpu.vector_load %arg10[%get3A_335, %get3A_336] {strides = array<i32>} : memref<512x64xf32, #tpu.memory_space<vmem>>, vector<1x16xf32>,
      %get3A_338 = vector.shape_cast %get3A_337 : vector<1x16xf32> to vector<16xf32>
      %mul3A_339 = arith.mulf %get3A_332, %get3A_338 : vector<16xf32>
      %add3A_340 = arith.addf %add3A_326, %mul3A_339 : vector<16xf32>
      %add3A_341 = arith.constant 2 : i32
      %add3A_342 = arith.addi %mul3A_190, %add3A_341 : i32
      %get3A_343 = arith.index_cast %add3A_342 : i32 to index
      %get3A_344 = arith.constant 48 : index
      %get3A_345 = tpu.vector_load %arg9[%get3A_343, %get3A_344] {strides = array<i32>} : memref<512x64xf32, #tpu.memory_space<vmem>>, vector<1x16xf32>,
      %get3A_346 = vector.shape_cast %get3A_345 : vector<1x16xf32> to vector<16xf32>
      %add3A_347 = arith.constant 2 : i32
      %add3A_348 = arith.addi %mul3A_190, %add3A_347 : i32
      %get3A_349 = arith.index_cast %add3A_348 : i32 to index
      %get3A_350 = arith.constant 48 : index
      %get3A_351 = tpu.vector_load %arg10[%get3A_349, %get3A_350] {strides = array<i32>} : memref<512x64xf32, #tpu.memory_space<vmem>>, vector<1x16xf32>,
      %get3A_352 = vector.shape_cast %get3A_351 : vector<1x16xf32> to vector<16xf32>
      %mul3A_353 = arith.mulf %get3A_346, %get3A_352 : vector<16xf32>
      %add3A_354 = arith.addf %add3A_340, %mul3A_353 : vector<16xf32>
      %add3A_355 = arith.constant 3 : i32
      %add3A_356 = arith.addi %mul3A_190, %add3A_355 : i32
      %get3A_357 = arith.index_cast %add3A_356 : i32 to index
      %get3A_358 = arith.constant 0 : index
      %get3A_359 = tpu.vector_load %arg9[%get3A_357, %get3A_358] {strides = array<i32>} : memref<512x64xf32, #tpu.memory_space<vmem>>, vector<1x16xf32>,
      %get3A_360 = vector.shape_cast %get3A_359 : vector<1x16xf32> to vector<16xf32>
      %add3A_361 = arith.constant 3 : i32
      %add3A_362 = arith.addi %mul3A_190, %add3A_361 : i32
      %get3A_363 = arith.index_cast %add3A_362 : i32 to index
      %get3A_364 = arith.constant 0 : index
      %get3A_365 = tpu.vector_load %arg10[%get3A_363, %get3A_364] {strides = array<i32>} : memref<512x64xf32, #tpu.memory_space<vmem>>, vector<1x16xf32>,
      %get3A_366 = vector.shape_cast %get3A_365 : vector<1x16xf32> to vector<16xf32>
      %mul3A_367 = arith.mulf %get3A_360, %get3A_366 : vector<16xf32>
      %add3A_368 = arith.constant 3 : i32
      %add3A_369 = arith.addi %mul3A_190, %add3A_368 : i32
      %get3A_370 = arith.index_cast %add3A_369 : i32 to index
      %get3A_371 = arith.constant 16 : index
      %get3A_372 = tpu.vector_load %arg9[%get3A_370, %get3A_371] {strides = array<i32>} : memref<512x64xf32, #tpu.memory_space<vmem>>, vector<1x16xf32>,
      %get3A_373 = vector.shape_cast %get3A_372 : vector<1x16xf32> to vector<16xf32>
      %add3A_374 = arith.constant 3 : i32
      %add3A_375 = arith.addi %mul3A_190, %add3A_374 : i32
      %get3A_376 = arith.index_cast %add3A_375 : i32 to index
      %get3A_377 = arith.constant 16 : index
      %get3A_378 = tpu.vector_load %arg10[%get3A_376, %get3A_377] {strides = array<i32>} : memref<512x64xf32, #tpu.memory_space<vmem>>, vector<1x16xf32>,
      %get3A_379 = vector.shape_cast %get3A_378 : vector<1x16xf32> to vector<16xf32>
      %mul3A_380 = arith.mulf %get3A_373, %get3A_379 : vector<16xf32>
      %add3A_381 = arith.addf %mul3A_367, %mul3A_380 : vector<16xf32>
      %add3A_382 = arith.constant 3 : i32
      %add3A_383 = arith.addi %mul3A_190, %add3A_382 : i32
      %get3A_384 = arith.index_cast %add3A_383 : i32 to index
      %get3A_385 = arith.constant 32 : index
      %get3A_386 = tpu.vector_load %arg9[%get3A_384, %get3A_385] {strides = array<i32>} : memref<512x64xf32, #tpu.memory_space<vmem>>, vector<1x16xf32>,
      %get3A_387 = vector.shape_cast %get3A_386 : vector<1x16xf32> to vector<16xf32>
      %add3A_388 = arith.constant 3 : i32
      %add3A_389 = arith.addi %mul3A_190, %add3A_388 : i32
      %get3A_390 = arith.index_cast %add3A_389 : i32 to index
      %get3A_391 = arith.constant 32 : index
      %get3A_392 = tpu.vector_load %arg10[%get3A_390, %get3A_391] {strides = array<i32>} : memref<512x64xf32, #tpu.memory_space<vmem>>, vector<1x16xf32>,
      %get3A_393 = vector.shape_cast %get3A_392 : vector<1x16xf32> to vector<16xf32>
      %mul3A_394 = arith.mulf %get3A_387, %get3A_393 : vector<16xf32>
      %add3A_395 = arith.addf %add3A_381, %mul3A_394 : vector<16xf32>
      %add3A_396 = arith.constant 3 : i32
      %add3A_397 = arith.addi %mul3A_190, %add3A_396 : i32
      %get3A_398 = arith.index_cast %add3A_397 : i32 to index
      %get3A_399 = arith.constant 48 : index
      %get3A_400 = tpu.vector_load %arg9[%get3A_398, %get3A_399] {strides = array<i32>} : memref<512x64xf32, #tpu.memory_space<vmem>>, vector<1x16xf32>,
      %get3A_401 = vector.shape_cast %get3A_400 : vector<1x16xf32> to vector<16xf32>
      %add3A_402 = arith.constant 3 : i32
      %add3A_403 = arith.addi %mul3A_190, %add3A_402 : i32
      %get3A_404 = arith.index_cast %add3A_403 : i32 to index
      %get3A_405 = arith.constant 48 : index
      %get3A_406 = tpu.vector_load %arg10[%get3A_404, %get3A_405] {strides = array<i32>} : memref<512x64xf32, #tpu.memory_space<vmem>>, vector<1x16xf32>,
      %get3A_407 = vector.shape_cast %get3A_406 : vector<1x16xf32> to vector<16xf32>
      %mul3A_408 = arith.mulf %get3A_401, %get3A_407 : vector<16xf32>
      %add3A_409 = arith.addf %add3A_395, %mul3A_408 : vector<16xf32>
      %add3A_410 = arith.constant 4 : i32
      %add3A_411 = arith.addi %mul3A_190, %add3A_410 : i32
      %get3A_412 = arith.index_cast %add3A_411 : i32 to index
      %get3A_413 = arith.constant 0 : index
      %get3A_414 = tpu.vector_load %arg9[%get3A_412, %get3A_413] {strides = array<i32>} : memref<512x64xf32, #tpu.memory_space<vmem>>, vector<1x16xf32>,
      %get3A_415 = vector.shape_cast %get3A_414 : vector<1x16xf32> to vector<16xf32>
      %add3A_416 = arith.constant 4 : i32
      %add3A_417 = arith.addi %mul3A_190, %add3A_416 : i32
      %get3A_418 = arith.index_cast %add3A_417 : i32 to index
      %get3A_419 = arith.constant 0 : index
      %get3A_420 = tpu.vector_load %arg10[%get3A_418, %get3A_419] {strides = array<i32>} : memref<512x64xf32, #tpu.memory_space<vmem>>, vector<1x16xf32>,
      %get3A_421 = vector.shape_cast %get3A_420 : vector<1x16xf32> to vector<16xf32>
      %mul3A_422 = arith.mulf %get3A_415, %get3A_421 : vector<16xf32>
      %add3A_423 = arith.constant 4 : i32
      %add3A_424 = arith.addi %mul3A_190, %add3A_423 : i32
      %get3A_425 = arith.index_cast %add3A_424 : i32 to index
      %get3A_426 = arith.constant 16 : index
      %get3A_427 = tpu.vector_load %arg9[%get3A_425, %get3A_426] {strides = array<i32>} : memref<512x64xf32, #tpu.memory_space<vmem>>, vector<1x16xf32>,
      %get3A_428 = vector.shape_cast %get3A_427 : vector<1x16xf32> to vector<16xf32>
      %add3A_429 = arith.constant 4 : i32
      %add3A_430 = arith.addi %mul3A_190, %add3A_429 : i32
      %get3A_431 = arith.index_cast %add3A_430 : i32 to index
      %get3A_432 = arith.constant 16 : index
      %get3A_433 = tpu.vector_load %arg10[%get3A_431, %get3A_432] {strides = array<i32>} : memref<512x64xf32, #tpu.memory_space<vmem>>, vector<1x16xf32>,
      %get3A_434 = vector.shape_cast %get3A_433 : vector<1x16xf32> to vector<16xf32>
      %mul3A_435 = arith.mulf %get3A_428, %get3A_434 : vector<16xf32>
      %add3A_436 = arith.addf %mul3A_422, %mul3A_435 : vector<16xf32>
      %add3A_437 = arith.constant 4 : i32
      %add3A_438 = arith.addi %mul3A_190, %add3A_437 : i32
      %get3A_439 = arith.index_cast %add3A_438 : i32 to index
      %get3A_440 = arith.constant 32 : index
      %get3A_441 = tpu.vector_load %arg9[%get3A_439, %get3A_440] {strides = array<i32>} : memref<512x64xf32, #tpu.memory_space<vmem>>, vector<1x16xf32>,
      %get3A_442 = vector.shape_cast %get3A_441 : vector<1x16xf32> to vector<16xf32>
      %add3A_443 = arith.constant 4 : i32
      %add3A_444 = arith.addi %mul3A_190, %add3A_443 : i32
      %get3A_445 = arith.index_cast %add3A_444 : i32 to index
      %get3A_446 = arith.constant 32 : index
      %get3A_447 = tpu.vector_load %arg10[%get3A_445, %get3A_446] {strides = array<i32>} : memref<512x64xf32, #tpu.memory_space<vmem>>, vector<1x16xf32>,
      %get3A_448 = vector.shape_cast %get3A_447 : vector<1x16xf32> to vector<16xf32>
      %mul3A_449 = arith.mulf %get3A_442, %get3A_448 : vector<16xf32>
      %add3A_450 = arith.addf %add3A_436, %mul3A_449 : vector<16xf32>
      %add3A_451 = arith.constant 4 : i32
      %add3A_452 = arith.addi %mul3A_190, %add3A_451 : i32
      %get3A_453 = arith.index_cast %add3A_452 : i32 to index
      %get3A_454 = arith.constant 48 : index
      %get3A_455 = tpu.vector_load %arg9[%get3A_453, %get3A_454] {strides = array<i32>} : memref<512x64xf32, #tpu.memory_space<vmem>>, vector<1x16xf32>,
      %get3A_456 = vector.shape_cast %get3A_455 : vector<1x16xf32> to vector<16xf32>
      %add3A_457 = arith.constant 4 : i32
      %add3A_458 = arith.addi %mul3A_190, %add3A_457 : i32
      %get3A_459 = arith.index_cast %add3A_458 : i32 to index
      %get3A_460 = arith.constant 48 : index
      %get3A_461 = tpu.vector_load %arg10[%get3A_459, %get3A_460] {strides = array<i32>} : memref<512x64xf32, #tpu.memory_space<vmem>>, vector<1x16xf32>,
      %get3A_462 = vector.shape_cast %get3A_461 : vector<1x16xf32> to vector<16xf32>
      %mul3A_463 = arith.mulf %get3A_456, %get3A_462 : vector<16xf32>
      %add3A_464 = arith.addf %add3A_450, %mul3A_463 : vector<16xf32>
      %add3A_465 = arith.constant 5 : i32
      %add3A_466 = arith.addi %mul3A_190, %add3A_465 : i32
      %get3A_467 = arith.index_cast %add3A_466 : i32 to index
      %get3A_468 = arith.constant 0 : index
      %get3A_469 = tpu.vector_load %arg9[%get3A_467, %get3A_468] {strides = array<i32>} : memref<512x64xf32, #tpu.memory_space<vmem>>, vector<1x16xf32>,
      %get3A_470 = vector.shape_cast %get3A_469 : vector<1x16xf32> to vector<16xf32>
      %add3A_471 = arith.constant 5 : i32
      %add3A_472 = arith.addi %mul3A_190, %add3A_471 : i32
      %get3A_473 = arith.index_cast %add3A_472 : i32 to index
      %get3A_474 = arith.constant 0 : index
      %get3A_475 = tpu.vector_load %arg10[%get3A_473, %get3A_474] {strides = array<i32>} : memref<512x64xf32, #tpu.memory_space<vmem>>, vector<1x16xf32>,
      %get3A_476 = vector.shape_cast %get3A_475 : vector<1x16xf32> to vector<16xf32>
      %mul3A_477 = arith.mulf %get3A_470, %get3A_476 : vector<16xf32>
      %add3A_478 = arith.constant 5 : i32
      %add3A_479 = arith.addi %mul3A_190, %add3A_478 : i32
      %get3A_480 = arith.index_cast %add3A_479 : i32 to index
      %get3A_481 = arith.constant 16 : index
      %get3A_482 = tpu.vector_load %arg9[%get3A_480, %get3A_481] {strides = array<i32>} : memref<512x64xf32, #tpu.memory_space<vmem>>, vector<1x16xf32>,
      %get3A_483 = vector.shape_cast %get3A_482 : vector<1x16xf32> to vector<16xf32>
      %add3A_484 = arith.constant 5 : i32
      %add3A_485 = arith.addi %mul3A_190, %add3A_484 : i32
      %get3A_486 = arith.index_cast %add3A_485 : i32 to index
      %get3A_487 = arith.constant 16 : index
      %get3A_488 = tpu.vector_load %arg10[%get3A_486, %get3A_487] {strides = array<i32>} : memref<512x64xf32, #tpu.memory_space<vmem>>, vector<1x16xf32>,
      %get3A_489 = vector.shape_cast %get3A_488 : vector<1x16xf32> to vector<16xf32>
      %mul3A_490 = arith.mulf %get3A_483, %get3A_489 : vector<16xf32>
      %add3A_491 = arith.addf %mul3A_477, %mul3A_490 : vector<16xf32>
      %add3A_492 = arith.constant 5 : i32
      %add3A_493 = arith.addi %mul3A_190, %add3A_492 : i32
      %get3A_494 = arith.index_cast %add3A_493 : i32 to index
      %get3A_495 = arith.constant 32 : index
      %get3A_496 = tpu.vector_load %arg9[%get3A_494, %get3A_495] {strides = array<i32>} : memref<512x64xf32, #tpu.memory_space<vmem>>, vector<1x16xf32>,
      %get3A_497 = vector.shape_cast %get3A_496 : vector<1x16xf32> to vector<16xf32>
      %add3A_498 = arith.constant 5 : i32
      %add3A_499 = arith.addi %mul3A_190, %add3A_498 : i32
      %get3A_500 = arith.index_cast %add3A_499 : i32 to index
      %get3A_501 = arith.constant 32 : index
      %get3A_502 = tpu.vector_load %arg10[%get3A_500, %get3A_501] {strides = array<i32>} : memref<512x64xf32, #tpu.memory_space<vmem>>, vector<1x16xf32>,
      %get3A_503 = vector.shape_cast %get3A_502 : vector<1x16xf32> to vector<16xf32>
      %mul3A_504 = arith.mulf %get3A_497, %get3A_503 : vector<16xf32>
      %add3A_505 = arith.addf %add3A_491, %mul3A_504 : vector<16xf32>
      %add3A_506 = arith.constant 5 : i32
      %add3A_507 = arith.addi %mul3A_190, %add3A_506 : i32
      %get3A_508 = arith.index_cast %add3A_507 : i32 to index
      %get3A_509 = arith.constant 48 : index
      %get3A_510 = tpu.vector_load %arg9[%get3A_508, %get3A_509] {strides = array<i32>} : memref<512x64xf32, #tpu.memory_space<vmem>>, vector<1x16xf32>,
      %get3A_511 = vector.shape_cast %get3A_510 : vector<1x16xf32> to vector<16xf32>
      %add3A_512 = arith.constant 5 : i32
      %add3A_513 = arith.addi %mul3A_190, %add3A_512 : i32
      %get3A_514 = arith.index_cast %add3A_513 : i32 to index
      %get3A_515 = arith.constant 48 : index
      %get3A_516 = tpu.vector_load %arg10[%get3A_514, %get3A_515] {strides = array<i32>} : memref<512x64xf32, #tpu.memory_space<vmem>>, vector<1x16xf32>,
      %get3A_517 = vector.shape_cast %get3A_516 : vector<1x16xf32> to vector<16xf32>
      %mul3A_518 = arith.mulf %get3A_511, %get3A_517 : vector<16xf32>
      %add3A_519 = arith.addf %add3A_505, %mul3A_518 : vector<16xf32>
      %add3A_520 = arith.constant 6 : i32
      %add3A_521 = arith.addi %mul3A_190, %add3A_520 : i32
      %get3A_522 = arith.index_cast %add3A_521 : i32 to index
      %get3A_523 = arith.constant 0 : index
      %get3A_524 = tpu.vector_load %arg9[%get3A_522, %get3A_523] {strides = array<i32>} : memref<512x64xf32, #tpu.memory_space<vmem>>, vector<1x16xf32>,
      %get3A_525 = vector.shape_cast %get3A_524 : vector<1x16xf32> to vector<16xf32>
      %add3A_526 = arith.constant 6 : i32
      %add3A_527 = arith.addi %mul3A_190, %add3A_526 : i32
      %get3A_528 = arith.index_cast %add3A_527 : i32 to index
      %get3A_529 = arith.constant 0 : index
      %get3A_530 = tpu.vector_load %arg10[%get3A_528, %get3A_529] {strides = array<i32>} : memref<512x64xf32, #tpu.memory_space<vmem>>, vector<1x16xf32>,
      %get3A_531 = vector.shape_cast %get3A_530 : vector<1x16xf32> to vector<16xf32>
      %mul3A_532 = arith.mulf %get3A_525, %get3A_531 : vector<16xf32>
      %add3A_533 = arith.constant 6 : i32
      %add3A_534 = arith.addi %mul3A_190, %add3A_533 : i32
      %get3A_535 = arith.index_cast %add3A_534 : i32 to index
      %get3A_536 = arith.constant 16 : index
      %get3A_537 = tpu.vector_load %arg9[%get3A_535, %get3A_536] {strides = array<i32>} : memref<512x64xf32, #tpu.memory_space<vmem>>, vector<1x16xf32>,
      %get3A_538 = vector.shape_cast %get3A_537 : vector<1x16xf32> to vector<16xf32>
      %add3A_539 = arith.constant 6 : i32
      %add3A_540 = arith.addi %mul3A_190, %add3A_539 : i32
      %get3A_541 = arith.index_cast %add3A_540 : i32 to index
      %get3A_542 = arith.constant 16 : index
      %get3A_543 = tpu.vector_load %arg10[%get3A_541, %get3A_542] {strides = array<i32>} : memref<512x64xf32, #tpu.memory_space<vmem>>, vector<1x16xf32>,
      %get3A_544 = vector.shape_cast %get3A_543 : vector<1x16xf32> to vector<16xf32>
      %mul3A_545 = arith.mulf %get3A_538, %get3A_544 : vector<16xf32>
      %add3A_546 = arith.addf %mul3A_532, %mul3A_545 : vector<16xf32>
      %add3A_547 = arith.constant 6 : i32
      %add3A_548 = arith.addi %mul3A_190, %add3A_547 : i32
      %get3A_549 = arith.index_cast %add3A_548 : i32 to index
      %get3A_550 = arith.constant 32 : index
      %get3A_551 = tpu.vector_load %arg9[%get3A_549, %get3A_550] {strides = array<i32>} : memref<512x64xf32, #tpu.memory_space<vmem>>, vector<1x16xf32>,
      %get3A_552 = vector.shape_cast %get3A_551 : vector<1x16xf32> to vector<16xf32>
      %add3A_553 = arith.constant 6 : i32
      %add3A_554 = arith.addi %mul3A_190, %add3A_553 : i32
      %get3A_555 = arith.index_cast %add3A_554 : i32 to index
      %get3A_556 = arith.constant 32 : index
      %get3A_557 = tpu.vector_load %arg10[%get3A_555, %get3A_556] {strides = array<i32>} : memref<512x64xf32, #tpu.memory_space<vmem>>, vector<1x16xf32>,
      %get3A_558 = vector.shape_cast %get3A_557 : vector<1x16xf32> to vector<16xf32>
      %mul3A_559 = arith.mulf %get3A_552, %get3A_558 : vector<16xf32>
      %add3A_560 = arith.addf %add3A_546, %mul3A_559 : vector<16xf32>
      %add3A_561 = arith.constant 6 : i32
      %add3A_562 = arith.addi %mul3A_190, %add3A_561 : i32
      %get3A_563 = arith.index_cast %add3A_562 : i32 to index
      %get3A_564 = arith.constant 48 : index
      %get3A_565 = tpu.vector_load %arg9[%get3A_563, %get3A_564] {strides = array<i32>} : memref<512x64xf32, #tpu.memory_space<vmem>>, vector<1x16xf32>,
      %get3A_566 = vector.shape_cast %get3A_565 : vector<1x16xf32> to vector<16xf32>
      %add3A_567 = arith.constant 6 : i32
      %add3A_568 = arith.addi %mul3A_190, %add3A_567 : i32
      %get3A_569 = arith.index_cast %add3A_568 : i32 to index
      %get3A_570 = arith.constant 48 : index
      %get3A_571 = tpu.vector_load %arg10[%get3A_569, %get3A_570] {strides = array<i32>} : memref<512x64xf32, #tpu.memory_space<vmem>>, vector<1x16xf32>,
      %get3A_572 = vector.shape_cast %get3A_571 : vector<1x16xf32> to vector<16xf32>
      %mul3A_573 = arith.mulf %get3A_566, %get3A_572 : vector<16xf32>
      %add3A_574 = arith.addf %add3A_560, %mul3A_573 : vector<16xf32>
      %add3A_575 = arith.constant 7 : i32
      %add3A_576 = arith.addi %mul3A_190, %add3A_575 : i32
      %get3A_577 = arith.index_cast %add3A_576 : i32 to index
      %get3A_578 = arith.constant 0 : index
      %get3A_579 = tpu.vector_load %arg9[%get3A_577, %get3A_578] {strides = array<i32>} : memref<512x64xf32, #tpu.memory_space<vmem>>, vector<1x16xf32>,
      %get3A_580 = vector.shape_cast %get3A_579 : vector<1x16xf32> to vector<16xf32>
      %add3A_581 = arith.constant 7 : i32
      %add3A_582 = arith.addi %mul3A_190, %add3A_581 : i32
      %get3A_583 = arith.index_cast %add3A_582 : i32 to index
      %get3A_584 = arith.constant 0 : index
      %get3A_585 = tpu.vector_load %arg10[%get3A_583, %get3A_584] {strides = array<i32>} : memref<512x64xf32, #tpu.memory_space<vmem>>, vector<1x16xf32>,
      %get3A_586 = vector.shape_cast %get3A_585 : vector<1x16xf32> to vector<16xf32>
      %mul3A_587 = arith.mulf %get3A_580, %get3A_586 : vector<16xf32>
      %add3A_588 = arith.constant 7 : i32
      %add3A_589 = arith.addi %mul3A_190, %add3A_588 : i32
      %get3A_590 = arith.index_cast %add3A_589 : i32 to index
      %get3A_591 = arith.constant 16 : index
      %get3A_592 = tpu.vector_load %arg9[%get3A_590, %get3A_591] {strides = array<i32>} : memref<512x64xf32, #tpu.memory_space<vmem>>, vector<1x16xf32>,
      %get3A_593 = vector.shape_cast %get3A_592 : vector<1x16xf32> to vector<16xf32>
      %add3A_594 = arith.constant 7 : i32
      %add3A_595 = arith.addi %mul3A_190, %add3A_594 : i32
      %get3A_596 = arith.index_cast %add3A_595 : i32 to index
      %get3A_597 = arith.constant 16 : index
      %get3A_598 = tpu.vector_load %arg10[%get3A_596, %get3A_597] {strides = array<i32>} : memref<512x64xf32, #tpu.memory_space<vmem>>, vector<1x16xf32>,
      %get3A_599 = vector.shape_cast %get3A_598 : vector<1x16xf32> to vector<16xf32>
      %mul3A_600 = arith.mulf %get3A_593, %get3A_599 : vector<16xf32>
      %add3A_601 = arith.addf %mul3A_587, %mul3A_600 : vector<16xf32>
      %add3A_602 = arith.constant 7 : i32
      %add3A_603 = arith.addi %mul3A_190, %add3A_602 : i32
      %get3A_604 = arith.index_cast %add3A_603 : i32 to index
      %get3A_605 = arith.constant 32 : index
      %get3A_606 = tpu.vector_load %arg9[%get3A_604, %get3A_605] {strides = array<i32>} : memref<512x64xf32, #tpu.memory_space<vmem>>, vector<1x16xf32>,
      %get3A_607 = vector.shape_cast %get3A_606 : vector<1x16xf32> to vector<16xf32>
      %add3A_608 = arith.constant 7 : i32
      %add3A_609 = arith.addi %mul3A_190, %add3A_608 : i32
      %get3A_610 = arith.index_cast %add3A_609 : i32 to index
      %get3A_611 = arith.constant 32 : index
      %get3A_612 = tpu.vector_load %arg10[%get3A_610, %get3A_611] {strides = array<i32>} : memref<512x64xf32, #tpu.memory_space<vmem>>, vector<1x16xf32>,
      %get3A_613 = vector.shape_cast %get3A_612 : vector<1x16xf32> to vector<16xf32>
      %mul3A_614 = arith.mulf %get3A_607, %get3A_613 : vector<16xf32>
      %add3A_615 = arith.addf %add3A_601, %mul3A_614 : vector<16xf32>
      %add3A_616 = arith.constant 7 : i32
      %add3A_617 = arith.addi %mul3A_190, %add3A_616 : i32
      %get3A_618 = arith.index_cast %add3A_617 : i32 to index
      %get3A_619 = arith.constant 48 : index
      %get3A_620 = tpu.vector_load %arg9[%get3A_618, %get3A_619] {strides = array<i32>} : memref<512x64xf32, #tpu.memory_space<vmem>>, vector<1x16xf32>,
      %get3A_621 = vector.shape_cast %get3A_620 : vector<1x16xf32> to vector<16xf32>
      %add3A_622 = arith.constant 7 : i32
      %add3A_623 = arith.addi %mul3A_190, %add3A_622 : i32
      %get3A_624 = arith.index_cast %add3A_623 : i32 to index
      %get3A_625 = arith.constant 48 : index
      %get3A_626 = tpu.vector_load %arg10[%get3A_624, %get3A_625] {strides = array<i32>} : memref<512x64xf32, #tpu.memory_space<vmem>>, vector<1x16xf32>,
      %get3A_627 = vector.shape_cast %get3A_626 : vector<1x16xf32> to vector<16xf32>
      %mul3A_628 = arith.mulf %get3A_621, %get3A_627 : vector<16xf32>
      %add3A_629 = arith.addf %add3A_615, %mul3A_628 : vector<16xf32>
      %add3A_630 = arith.constant 8 : i32
      %add3A_631 = arith.addi %mul3A_190, %add3A_630 : i32
      %get3A_632 = arith.index_cast %add3A_631 : i32 to index
      %get3A_633 = arith.constant 0 : index
      %get3A_634 = tpu.vector_load %arg9[%get3A_632, %get3A_633] {strides = array<i32>} : memref<512x64xf32, #tpu.memory_space<vmem>>, vector<1x16xf32>,
      %get3A_635 = vector.shape_cast %get3A_634 : vector<1x16xf32> to vector<16xf32>
      %add3A_636 = arith.constant 8 : i32
      %add3A_637 = arith.addi %mul3A_190, %add3A_636 : i32
      %get3A_638 = arith.index_cast %add3A_637 : i32 to index
      %get3A_639 = arith.constant 0 : index
      %get3A_640 = tpu.vector_load %arg10[%get3A_638, %get3A_639] {strides = array<i32>} : memref<512x64xf32, #tpu.memory_space<vmem>>, vector<1x16xf32>,
      %get3A_641 = vector.shape_cast %get3A_640 : vector<1x16xf32> to vector<16xf32>
      %mul3A_642 = arith.mulf %get3A_635, %get3A_641 : vector<16xf32>
      %add3A_643 = arith.constant 8 : i32
      %add3A_644 = arith.addi %mul3A_190, %add3A_643 : i32
      %get3A_645 = arith.index_cast %add3A_644 : i32 to index
      %get3A_646 = arith.constant 16 : index
      %get3A_647 = tpu.vector_load %arg9[%get3A_645, %get3A_646] {strides = array<i32>} : memref<512x64xf32, #tpu.memory_space<vmem>>, vector<1x16xf32>,
      %get3A_648 = vector.shape_cast %get3A_647 : vector<1x16xf32> to vector<16xf32>
      %add3A_649 = arith.constant 8 : i32
      %add3A_650 = arith.addi %mul3A_190, %add3A_649 : i32
      %get3A_651 = arith.index_cast %add3A_650 : i32 to index
      %get3A_652 = arith.constant 16 : index
      %get3A_653 = tpu.vector_load %arg10[%get3A_651, %get3A_652] {strides = array<i32>} : memref<512x64xf32, #tpu.memory_space<vmem>>, vector<1x16xf32>,
      %get3A_654 = vector.shape_cast %get3A_653 : vector<1x16xf32> to vector<16xf32>
      %mul3A_655 = arith.mulf %get3A_648, %get3A_654 : vector<16xf32>
      %add3A_656 = arith.addf %mul3A_642, %mul3A_655 : vector<16xf32>
      %add3A_657 = arith.constant 8 : i32
      %add3A_658 = arith.addi %mul3A_190, %add3A_657 : i32
      %get3A_659 = arith.index_cast %add3A_658 : i32 to index
      %get3A_660 = arith.constant 32 : index
      %get3A_661 = tpu.vector_load %arg9[%get3A_659, %get3A_660] {strides = array<i32>} : memref<512x64xf32, #tpu.memory_space<vmem>>, vector<1x16xf32>,
      %get3A_662 = vector.shape_cast %get3A_661 : vector<1x16xf32> to vector<16xf32>
      %add3A_663 = arith.constant 8 : i32
      %add3A_664 = arith.addi %mul3A_190, %add3A_663 : i32
      %get3A_665 = arith.index_cast %add3A_664 : i32 to index
      %get3A_666 = arith.constant 32 : index
      %get3A_667 = tpu.vector_load %arg10[%get3A_665, %get3A_666] {strides = array<i32>} : memref<512x64xf32, #tpu.memory_space<vmem>>, vector<1x16xf32>,
      %get3A_668 = vector.shape_cast %get3A_667 : vector<1x16xf32> to vector<16xf32>
      %mul3A_669 = arith.mulf %get3A_662, %get3A_668 : vector<16xf32>
      %add3A_670 = arith.addf %add3A_656, %mul3A_669 : vector<16xf32>
      %add3A_671 = arith.constant 8 : i32
      %add3A_672 = arith.addi %mul3A_190, %add3A_671 : i32
      %get3A_673 = arith.index_cast %add3A_672 : i32 to index
      %get3A_674 = arith.constant 48 : index
      %get3A_675 = tpu.vector_load %arg9[%get3A_673, %get3A_674] {strides = array<i32>} : memref<512x64xf32, #tpu.memory_space<vmem>>, vector<1x16xf32>,
      %get3A_676 = vector.shape_cast %get3A_675 : vector<1x16xf32> to vector<16xf32>
      %add3A_677 = arith.constant 8 : i32
      %add3A_678 = arith.addi %mul3A_190, %add3A_677 : i32
      %get3A_679 = arith.index_cast %add3A_678 : i32 to index
      %get3A_680 = arith.constant 48 : index
      %get3A_681 = tpu.vector_load %arg10[%get3A_679, %get3A_680] {strides = array<i32>} : memref<512x64xf32, #tpu.memory_space<vmem>>, vector<1x16xf32>,
      %get3A_682 = vector.shape_cast %get3A_681 : vector<1x16xf32> to vector<16xf32>
      %mul3A_683 = arith.mulf %get3A_676, %get3A_682 : vector<16xf32>
      %add3A_684 = arith.addf %add3A_670, %mul3A_683 : vector<16xf32>
      %add3A_685 = arith.constant 9 : i32
      %add3A_686 = arith.addi %mul3A_190, %add3A_685 : i32
      %get3A_687 = arith.index_cast %add3A_686 : i32 to index
      %get3A_688 = arith.constant 0 : index
      %get3A_689 = tpu.vector_load %arg9[%get3A_687, %get3A_688] {strides = array<i32>} : memref<512x64xf32, #tpu.memory_space<vmem>>, vector<1x16xf32>,
      %get3A_690 = vector.shape_cast %get3A_689 : vector<1x16xf32> to vector<16xf32>
      %add3A_691 = arith.constant 9 : i32
      %add3A_692 = arith.addi %mul3A_190, %add3A_691 : i32
      %get3A_693 = arith.index_cast %add3A_692 : i32 to index
      %get3A_694 = arith.constant 0 : index
      %get3A_695 = tpu.vector_load %arg10[%get3A_693, %get3A_694] {strides = array<i32>} : memref<512x64xf32, #tpu.memory_space<vmem>>, vector<1x16xf32>,
      %get3A_696 = vector.shape_cast %get3A_695 : vector<1x16xf32> to vector<16xf32>
      %mul3A_697 = arith.mulf %get3A_690, %get3A_696 : vector<16xf32>
      %add3A_698 = arith.constant 9 : i32
      %add3A_699 = arith.addi %mul3A_190, %add3A_698 : i32
      %get3A_700 = arith.index_cast %add3A_699 : i32 to index
      %get3A_701 = arith.constant 16 : index
      %get3A_702 = tpu.vector_load %arg9[%get3A_700, %get3A_701] {strides = array<i32>} : memref<512x64xf32, #tpu.memory_space<vmem>>, vector<1x16xf32>,
      %get3A_703 = vector.shape_cast %get3A_702 : vector<1x16xf32> to vector<16xf32>
      %add3A_704 = arith.constant 9 : i32
      %add3A_705 = arith.addi %mul3A_190, %add3A_704 : i32
      %get3A_706 = arith.index_cast %add3A_705 : i32 to index
      %get3A_707 = arith.constant 16 : index
      %get3A_708 = tpu.vector_load %arg10[%get3A_706, %get3A_707] {strides = array<i32>} : memref<512x64xf32, #tpu.memory_space<vmem>>, vector<1x16xf32>,
      %get3A_709 = vector.shape_cast %get3A_708 : vector<1x16xf32> to vector<16xf32>
      %mul3A_710 = arith.mulf %get3A_703, %get3A_709 : vector<16xf32>
      %add3A_711 = arith.addf %mul3A_697, %mul3A_710 : vector<16xf32>
      %add3A_712 = arith.constant 9 : i32
      %add3A_713 = arith.addi %mul3A_190, %add3A_712 : i32
      %get3A_714 = arith.index_cast %add3A_713 : i32 to index
      %get3A_715 = arith.constant 32 : index
      %get3A_716 = tpu.vector_load %arg9[%get3A_714, %get3A_715] {strides = array<i32>} : memref<512x64xf32, #tpu.memory_space<vmem>>, vector<1x16xf32>,
      %get3A_717 = vector.shape_cast %get3A_716 : vector<1x16xf32> to vector<16xf32>
      %add3A_718 = arith.constant 9 : i32
      %add3A_719 = arith.addi %mul3A_190, %add3A_718 : i32
      %get3A_720 = arith.index_cast %add3A_719 : i32 to index
      %get3A_721 = arith.constant 32 : index
      %get3A_722 = tpu.vector_load %arg10[%get3A_720, %get3A_721] {strides = array<i32>} : memref<512x64xf32, #tpu.memory_space<vmem>>, vector<1x16xf32>,
      %get3A_723 = vector.shape_cast %get3A_722 : vector<1x16xf32> to vector<16xf32>
      %mul3A_724 = arith.mulf %get3A_717, %get3A_723 : vector<16xf32>
      %add3A_725 = arith.addf %add3A_711, %mul3A_724 : vector<16xf32>
      %add3A_726 = arith.constant 9 : i32
      %add3A_727 = arith.addi %mul3A_190, %add3A_726 : i32
      %get3A_728 = arith.index_cast %add3A_727 : i32 to index
      %get3A_729 = arith.constant 48 : index
      %get3A_730 = tpu.vector_load %arg9[%get3A_728, %get3A_729] {strides = array<i32>} : memref<512x64xf32, #tpu.memory_space<vmem>>, vector<1x16xf32>,
      %get3A_731 = vector.shape_cast %get3A_730 : vector<1x16xf32> to vector<16xf32>
      %add3A_732 = arith.constant 9 : i32
      %add3A_733 = arith.addi %mul3A_190, %add3A_732 : i32
      %get3A_734 = arith.index_cast %add3A_733 : i32 to index
      %get3A_735 = arith.constant 48 : index
      %get3A_736 = tpu.vector_load %arg10[%get3A_734, %get3A_735] {strides = array<i32>} : memref<512x64xf32, #tpu.memory_space<vmem>>, vector<1x16xf32>,
      %get3A_737 = vector.shape_cast %get3A_736 : vector<1x16xf32> to vector<16xf32>
      %mul3A_738 = arith.mulf %get3A_731, %get3A_737 : vector<16xf32>
      %add3A_739 = arith.addf %add3A_725, %mul3A_738 : vector<16xf32>
      %add3A_740 = arith.constant 10 : i32
      %add3A_741 = arith.addi %mul3A_190, %add3A_740 : i32
      %get3A_742 = arith.index_cast %add3A_741 : i32 to index
      %get3A_743 = arith.constant 0 : index
      %get3A_744 = tpu.vector_load %arg9[%get3A_742, %get3A_743] {strides = array<i32>} : memref<512x64xf32, #tpu.memory_space<vmem>>, vector<1x16xf32>,
      %get3A_745 = vector.shape_cast %get3A_744 : vector<1x16xf32> to vector<16xf32>
      %add3A_746 = arith.constant 10 : i32
      %add3A_747 = arith.addi %mul3A_190, %add3A_746 : i32
      %get3A_748 = arith.index_cast %add3A_747 : i32 to index
      %get3A_749 = arith.constant 0 : index
      %get3A_750 = tpu.vector_load %arg10[%get3A_748, %get3A_749] {strides = array<i32>} : memref<512x64xf32, #tpu.memory_space<vmem>>, vector<1x16xf32>,
      %get3A_751 = vector.shape_cast %get3A_750 : vector<1x16xf32> to vector<16xf32>
      %mul3A_752 = arith.mulf %get3A_745, %get3A_751 : vector<16xf32>
      %add3A_753 = arith.constant 10 : i32
      %add3A_754 = arith.addi %mul3A_190, %add3A_753 : i32
      %get3A_755 = arith.index_cast %add3A_754 : i32 to index
      %get3A_756 = arith.constant 16 : index
      %get3A_757 = tpu.vector_load %arg9[%get3A_755, %get3A_756] {strides = array<i32>} : memref<512x64xf32, #tpu.memory_space<vmem>>, vector<1x16xf32>,
      %get3A_758 = vector.shape_cast %get3A_757 : vector<1x16xf32> to vector<16xf32>
      %add3A_759 = arith.constant 10 : i32
      %add3A_760 = arith.addi %mul3A_190, %add3A_759 : i32
      %get3A_761 = arith.index_cast %add3A_760 : i32 to index
      %get3A_762 = arith.constant 16 : index
      %get3A_763 = tpu.vector_load %arg10[%get3A_761, %get3A_762] {strides = array<i32>} : memref<512x64xf32, #tpu.memory_space<vmem>>, vector<1x16xf32>,
      %get3A_764 = vector.shape_cast %get3A_763 : vector<1x16xf32> to vector<16xf32>
      %mul3A_765 = arith.mulf %get3A_758, %get3A_764 : vector<16xf32>
      %add3A_766 = arith.addf %mul3A_752, %mul3A_765 : vector<16xf32>
      %add3A_767 = arith.constant 10 : i32
      %add3A_768 = arith.addi %mul3A_190, %add3A_767 : i32
      %get3A_769 = arith.index_cast %add3A_768 : i32 to index
      %get3A_770 = arith.constant 32 : index
      %get3A_771 = tpu.vector_load %arg9[%get3A_769, %get3A_770] {strides = array<i32>} : memref<512x64xf32, #tpu.memory_space<vmem>>, vector<1x16xf32>,
      %get3A_772 = vector.shape_cast %get3A_771 : vector<1x16xf32> to vector<16xf32>
      %add3A_773 = arith.constant 10 : i32
      %add3A_774 = arith.addi %mul3A_190, %add3A_773 : i32
      %get3A_775 = arith.index_cast %add3A_774 : i32 to index
      %get3A_776 = arith.constant 32 : index
      %get3A_777 = tpu.vector_load %arg10[%get3A_775, %get3A_776] {strides = array<i32>} : memref<512x64xf32, #tpu.memory_space<vmem>>, vector<1x16xf32>,
      %get3A_778 = vector.shape_cast %get3A_777 : vector<1x16xf32> to vector<16xf32>
      %mul3A_779 = arith.mulf %get3A_772, %get3A_778 : vector<16xf32>
      %add3A_780 = arith.addf %add3A_766, %mul3A_779 : vector<16xf32>
      %add3A_781 = arith.constant 10 : i32
      %add3A_782 = arith.addi %mul3A_190, %add3A_781 : i32
      %get3A_783 = arith.index_cast %add3A_782 : i32 to index
      %get3A_784 = arith.constant 48 : index
      %get3A_785 = tpu.vector_load %arg9[%get3A_783, %get3A_784] {strides = array<i32>} : memref<512x64xf32, #tpu.memory_space<vmem>>, vector<1x16xf32>,
      %get3A_786 = vector.shape_cast %get3A_785 : vector<1x16xf32> to vector<16xf32>
      %add3A_787 = arith.constant 10 : i32
      %add3A_788 = arith.addi %mul3A_190, %add3A_787 : i32
      %get3A_789 = arith.index_cast %add3A_788 : i32 to index
      %get3A_790 = arith.constant 48 : index
      %get3A_791 = tpu.vector_load %arg10[%get3A_789, %get3A_790] {strides = array<i32>} : memref<512x64xf32, #tpu.memory_space<vmem>>, vector<1x16xf32>,
      %get3A_792 = vector.shape_cast %get3A_791 : vector<1x16xf32> to vector<16xf32>
      %mul3A_793 = arith.mulf %get3A_786, %get3A_792 : vector<16xf32>
      %add3A_794 = arith.addf %add3A_780, %mul3A_793 : vector<16xf32>
      %add3A_795 = arith.constant 11 : i32
      %add3A_796 = arith.addi %mul3A_190, %add3A_795 : i32
      %get3A_797 = arith.index_cast %add3A_796 : i32 to index
      %get3A_798 = arith.constant 0 : index
      %get3A_799 = tpu.vector_load %arg9[%get3A_797, %get3A_798] {strides = array<i32>} : memref<512x64xf32, #tpu.memory_space<vmem>>, vector<1x16xf32>,
      %get3A_800 = vector.shape_cast %get3A_799 : vector<1x16xf32> to vector<16xf32>
      %add3A_801 = arith.constant 11 : i32
      %add3A_802 = arith.addi %mul3A_190, %add3A_801 : i32
      %get3A_803 = arith.index_cast %add3A_802 : i32 to index
      %get3A_804 = arith.constant 0 : index
      %get3A_805 = tpu.vector_load %arg10[%get3A_803, %get3A_804] {strides = array<i32>} : memref<512x64xf32, #tpu.memory_space<vmem>>, vector<1x16xf32>,
      %get3A_806 = vector.shape_cast %get3A_805 : vector<1x16xf32> to vector<16xf32>
      %mul3A_807 = arith.mulf %get3A_800, %get3A_806 : vector<16xf32>
      %add3A_808 = arith.constant 11 : i32
      %add3A_809 = arith.addi %mul3A_190, %add3A_808 : i32
      %get3A_810 = arith.index_cast %add3A_809 : i32 to index
      %get3A_811 = arith.constant 16 : index
      %get3A_812 = tpu.vector_load %arg9[%get3A_810, %get3A_811] {strides = array<i32>} : memref<512x64xf32, #tpu.memory_space<vmem>>, vector<1x16xf32>,
      %get3A_813 = vector.shape_cast %get3A_812 : vector<1x16xf32> to vector<16xf32>
      %add3A_814 = arith.constant 11 : i32
      %add3A_815 = arith.addi %mul3A_190, %add3A_814 : i32
      %get3A_816 = arith.index_cast %add3A_815 : i32 to index
      %get3A_817 = arith.constant 16 : index
      %get3A_818 = tpu.vector_load %arg10[%get3A_816, %get3A_817] {strides = array<i32>} : memref<512x64xf32, #tpu.memory_space<vmem>>, vector<1x16xf32>,
      %get3A_819 = vector.shape_cast %get3A_818 : vector<1x16xf32> to vector<16xf32>
      %mul3A_820 = arith.mulf %get3A_813, %get3A_819 : vector<16xf32>
      %add3A_821 = arith.addf %mul3A_807, %mul3A_820 : vector<16xf32>
      %add3A_822 = arith.constant 11 : i32
      %add3A_823 = arith.addi %mul3A_190, %add3A_822 : i32
      %get3A_824 = arith.index_cast %add3A_823 : i32 to index
      %get3A_825 = arith.constant 32 : index
      %get3A_826 = tpu.vector_load %arg9[%get3A_824, %get3A_825] {strides = array<i32>} : memref<512x64xf32, #tpu.memory_space<vmem>>, vector<1x16xf32>,
      %get3A_827 = vector.shape_cast %get3A_826 : vector<1x16xf32> to vector<16xf32>
      %add3A_828 = arith.constant 11 : i32
      %add3A_829 = arith.addi %mul3A_190, %add3A_828 : i32
      %get3A_830 = arith.index_cast %add3A_829 : i32 to index
      %get3A_831 = arith.constant 32 : index
      %get3A_832 = tpu.vector_load %arg10[%get3A_830, %get3A_831] {strides = array<i32>} : memref<512x64xf32, #tpu.memory_space<vmem>>, vector<1x16xf32>,
      %get3A_833 = vector.shape_cast %get3A_832 : vector<1x16xf32> to vector<16xf32>
      %mul3A_834 = arith.mulf %get3A_827, %get3A_833 : vector<16xf32>
      %add3A_835 = arith.addf %add3A_821, %mul3A_834 : vector<16xf32>
      %add3A_836 = arith.constant 11 : i32
      %add3A_837 = arith.addi %mul3A_190, %add3A_836 : i32
      %get3A_838 = arith.index_cast %add3A_837 : i32 to index
      %get3A_839 = arith.constant 48 : index
      %get3A_840 = tpu.vector_load %arg9[%get3A_838, %get3A_839] {strides = array<i32>} : memref<512x64xf32, #tpu.memory_space<vmem>>, vector<1x16xf32>,
      %get3A_841 = vector.shape_cast %get3A_840 : vector<1x16xf32> to vector<16xf32>
      %add3A_842 = arith.constant 11 : i32
      %add3A_843 = arith.addi %mul3A_190, %add3A_842 : i32
      %get3A_844 = arith.index_cast %add3A_843 : i32 to index
      %get3A_845 = arith.constant 48 : index
      %get3A_846 = tpu.vector_load %arg10[%get3A_844, %get3A_845] {strides = array<i32>} : memref<512x64xf32, #tpu.memory_space<vmem>>, vector<1x16xf32>,
      %get3A_847 = vector.shape_cast %get3A_846 : vector<1x16xf32> to vector<16xf32>
      %mul3A_848 = arith.mulf %get3A_841, %get3A_847 : vector<16xf32>
      %add3A_849 = arith.addf %add3A_835, %mul3A_848 : vector<16xf32>
      %add3A_850 = arith.constant 12 : i32
      %add3A_851 = arith.addi %mul3A_190, %add3A_850 : i32
      %get3A_852 = arith.index_cast %add3A_851 : i32 to index
      %get3A_853 = arith.constant 0 : index
      %get3A_854 = tpu.vector_load %arg9[%get3A_852, %get3A_853] {strides = array<i32>} : memref<512x64xf32, #tpu.memory_space<vmem>>, vector<1x16xf32>,
      %get3A_855 = vector.shape_cast %get3A_854 : vector<1x16xf32> to vector<16xf32>
      %add3A_856 = arith.constant 12 : i32
      %add3A_857 = arith.addi %mul3A_190, %add3A_856 : i32
      %get3A_858 = arith.index_cast %add3A_857 : i32 to index
      %get3A_859 = arith.constant 0 : index
      %get3A_860 = tpu.vector_load %arg10[%get3A_858, %get3A_859] {strides = array<i32>} : memref<512x64xf32, #tpu.memory_space<vmem>>, vector<1x16xf32>,
      %get3A_861 = vector.shape_cast %get3A_860 : vector<1x16xf32> to vector<16xf32>
      %mul3A_862 = arith.mulf %get3A_855, %get3A_861 : vector<16xf32>
      %add3A_863 = arith.constant 12 : i32
      %add3A_864 = arith.addi %mul3A_190, %add3A_863 : i32
      %get3A_865 = arith.index_cast %add3A_864 : i32 to index
      %get3A_866 = arith.constant 16 : index
      %get3A_867 = tpu.vector_load %arg9[%get3A_865, %get3A_866] {strides = array<i32>} : memref<512x64xf32, #tpu.memory_space<vmem>>, vector<1x16xf32>,
      %get3A_868 = vector.shape_cast %get3A_867 : vector<1x16xf32> to vector<16xf32>
      %add3A_869 = arith.constant 12 : i32
      %add3A_870 = arith.addi %mul3A_190, %add3A_869 : i32
      %get3A_871 = arith.index_cast %add3A_870 : i32 to index
      %get3A_872 = arith.constant 16 : index
      %get3A_873 = tpu.vector_load %arg10[%get3A_871, %get3A_872] {strides = array<i32>} : memref<512x64xf32, #tpu.memory_space<vmem>>, vector<1x16xf32>,
      %get3A_874 = vector.shape_cast %get3A_873 : vector<1x16xf32> to vector<16xf32>
      %mul3A_875 = arith.mulf %get3A_868, %get3A_874 : vector<16xf32>
      %add3A_876 = arith.addf %mul3A_862, %mul3A_875 : vector<16xf32>
      %add3A_877 = arith.constant 12 : i32
      %add3A_878 = arith.addi %mul3A_190, %add3A_877 : i32
      %get3A_879 = arith.index_cast %add3A_878 : i32 to index
      %get3A_880 = arith.constant 32 : index
      %get3A_881 = tpu.vector_load %arg9[%get3A_879, %get3A_880] {strides = array<i32>} : memref<512x64xf32, #tpu.memory_space<vmem>>, vector<1x16xf32>,
      %get3A_882 = vector.shape_cast %get3A_881 : vector<1x16xf32> to vector<16xf32>
      %add3A_883 = arith.constant 12 : i32
      %add3A_884 = arith.addi %mul3A_190, %add3A_883 : i32
      %get3A_885 = arith.index_cast %add3A_884 : i32 to index
      %get3A_886 = arith.constant 32 : index
      %get3A_887 = tpu.vector_load %arg10[%get3A_885, %get3A_886] {strides = array<i32>} : memref<512x64xf32, #tpu.memory_space<vmem>>, vector<1x16xf32>,
      %get3A_888 = vector.shape_cast %get3A_887 : vector<1x16xf32> to vector<16xf32>
      %mul3A_889 = arith.mulf %get3A_882, %get3A_888 : vector<16xf32>
      %add3A_890 = arith.addf %add3A_876, %mul3A_889 : vector<16xf32>
      %add3A_891 = arith.constant 12 : i32
      %add3A_892 = arith.addi %mul3A_190, %add3A_891 : i32
      %get3A_893 = arith.index_cast %add3A_892 : i32 to index
      %get3A_894 = arith.constant 48 : index
      %get3A_895 = tpu.vector_load %arg9[%get3A_893, %get3A_894] {strides = array<i32>} : memref<512x64xf32, #tpu.memory_space<vmem>>, vector<1x16xf32>,
      %get3A_896 = vector.shape_cast %get3A_895 : vector<1x16xf32> to vector<16xf32>
      %add3A_897 = arith.constant 12 : i32
      %add3A_898 = arith.addi %mul3A_190, %add3A_897 : i32
      %get3A_899 = arith.index_cast %add3A_898 : i32 to index
      %get3A_900 = arith.constant 48 : index
      %get3A_901 = tpu.vector_load %arg10[%get3A_899, %get3A_900] {strides = array<i32>} : memref<512x64xf32, #tpu.memory_space<vmem>>, vector<1x16xf32>,
      %get3A_902 = vector.shape_cast %get3A_901 : vector<1x16xf32> to vector<16xf32>
      %mul3A_903 = arith.mulf %get3A_896, %get3A_902 : vector<16xf32>
      %add3A_904 = arith.addf %add3A_890, %mul3A_903 : vector<16xf32>
      %add3A_905 = arith.constant 13 : i32
      %add3A_906 = arith.addi %mul3A_190, %add3A_905 : i32
      %get3A_907 = arith.index_cast %add3A_906 : i32 to index
      %get3A_908 = arith.constant 0 : index
      %get3A_909 = tpu.vector_load %arg9[%get3A_907, %get3A_908] {strides = array<i32>} : memref<512x64xf32, #tpu.memory_space<vmem>>, vector<1x16xf32>,
      %get3A_910 = vector.shape_cast %get3A_909 : vector<1x16xf32> to vector<16xf32>
      %add3A_911 = arith.constant 13 : i32
      %add3A_912 = arith.addi %mul3A_190, %add3A_911 : i32
      %get3A_913 = arith.index_cast %add3A_912 : i32 to index
      %get3A_914 = arith.constant 0 : index
      %get3A_915 = tpu.vector_load %arg10[%get3A_913, %get3A_914] {strides = array<i32>} : memref<512x64xf32, #tpu.memory_space<vmem>>, vector<1x16xf32>,
      %get3A_916 = vector.shape_cast %get3A_915 : vector<1x16xf32> to vector<16xf32>
      %mul3A_917 = arith.mulf %get3A_910, %get3A_916 : vector<16xf32>
      %add3A_918 = arith.constant 13 : i32
      %add3A_919 = arith.addi %mul3A_190, %add3A_918 : i32
      %get3A_920 = arith.index_cast %add3A_919 : i32 to index
      %get3A_921 = arith.constant 16 : index
      %get3A_922 = tpu.vector_load %arg9[%get3A_920, %get3A_921] {strides = array<i32>} : memref<512x64xf32, #tpu.memory_space<vmem>>, vector<1x16xf32>,
      %get3A_923 = vector.shape_cast %get3A_922 : vector<1x16xf32> to vector<16xf32>
      %add3A_924 = arith.constant 13 : i32
      %add3A_925 = arith.addi %mul3A_190, %add3A_924 : i32
      %get3A_926 = arith.index_cast %add3A_925 : i32 to index
      %get3A_927 = arith.constant 16 : index
      %get3A_928 = tpu.vector_load %arg10[%get3A_926, %get3A_927] {strides = array<i32>} : memref<512x64xf32, #tpu.memory_space<vmem>>, vector<1x16xf32>,
      %get3A_929 = vector.shape_cast %get3A_928 : vector<1x16xf32> to vector<16xf32>
      %mul3A_930 = arith.mulf %get3A_923, %get3A_929 : vector<16xf32>
      %add3A_931 = arith.addf %mul3A_917, %mul3A_930 : vector<16xf32>
      %add3A_932 = arith.constant 13 : i32
      %add3A_933 = arith.addi %mul3A_190, %add3A_932 : i32
      %get3A_934 = arith.index_cast %add3A_933 : i32 to index
      %get3A_935 = arith.constant 32 : index
      %get3A_936 = tpu.vector_load %arg9[%get3A_934, %get3A_935] {strides = array<i32>} : memref<512x64xf32, #tpu.memory_space<vmem>>, vector<1x16xf32>,
      %get3A_937 = vector.shape_cast %get3A_936 : vector<1x16xf32> to vector<16xf32>
      %add3A_938 = arith.constant 13 : i32
      %add3A_939 = arith.addi %mul3A_190, %add3A_938 : i32
      %get3A_940 = arith.index_cast %add3A_939 : i32 to index
      %get3A_941 = arith.constant 32 : index
      %get3A_942 = tpu.vector_load %arg10[%get3A_940, %get3A_941] {strides = array<i32>} : memref<512x64xf32, #tpu.memory_space<vmem>>, vector<1x16xf32>,
      %get3A_943 = vector.shape_cast %get3A_942 : vector<1x16xf32> to vector<16xf32>
      %mul3A_944 = arith.mulf %get3A_937, %get3A_943 : vector<16xf32>
      %add3A_945 = arith.addf %add3A_931, %mul3A_944 : vector<16xf32>
      %add3A_946 = arith.constant 13 : i32
      %add3A_947 = arith.addi %mul3A_190, %add3A_946 : i32
      %get3A_948 = arith.index_cast %add3A_947 : i32 to index
      %get3A_949 = arith.constant 48 : index
      %get3A_950 = tpu.vector_load %arg9[%get3A_948, %get3A_949] {strides = array<i32>} : memref<512x64xf32, #tpu.memory_space<vmem>>, vector<1x16xf32>,
      %get3A_951 = vector.shape_cast %get3A_950 : vector<1x16xf32> to vector<16xf32>
      %add3A_952 = arith.constant 13 : i32
      %add3A_953 = arith.addi %mul3A_190, %add3A_952 : i32
      %get3A_954 = arith.index_cast %add3A_953 : i32 to index
      %get3A_955 = arith.constant 48 : index
      %get3A_956 = tpu.vector_load %arg10[%get3A_954, %get3A_955] {strides = array<i32>} : memref<512x64xf32, #tpu.memory_space<vmem>>, vector<1x16xf32>,
      %get3A_957 = vector.shape_cast %get3A_956 : vector<1x16xf32> to vector<16xf32>
      %mul3A_958 = arith.mulf %get3A_951, %get3A_957 : vector<16xf32>
      %add3A_959 = arith.addf %add3A_945, %mul3A_958 : vector<16xf32>
      %add3A_960 = arith.constant 14 : i32
      %add3A_961 = arith.addi %mul3A_190, %add3A_960 : i32
      %get3A_962 = arith.index_cast %add3A_961 : i32 to index
      %get3A_963 = arith.constant 0 : index
      %get3A_964 = tpu.vector_load %arg9[%get3A_962, %get3A_963] {strides = array<i32>} : memref<512x64xf32, #tpu.memory_space<vmem>>, vector<1x16xf32>,
      %get3A_965 = vector.shape_cast %get3A_964 : vector<1x16xf32> to vector<16xf32>
      %add3A_966 = arith.constant 14 : i32
      %add3A_967 = arith.addi %mul3A_190, %add3A_966 : i32
      %get3A_968 = arith.index_cast %add3A_967 : i32 to index
      %get3A_969 = arith.constant 0 : index
      %get3A_970 = tpu.vector_load %arg10[%get3A_968, %get3A_969] {strides = array<i32>} : memref<512x64xf32, #tpu.memory_space<vmem>>, vector<1x16xf32>,
      %get3A_971 = vector.shape_cast %get3A_970 : vector<1x16xf32> to vector<16xf32>
      %mul3A_972 = arith.mulf %get3A_965, %get3A_971 : vector<16xf32>
      %add3A_973 = arith.constant 14 : i32
      %add3A_974 = arith.addi %mul3A_190, %add3A_973 : i32
      %get3A_975 = arith.index_cast %add3A_974 : i32 to index
      %get3A_976 = arith.constant 16 : index
      %get3A_977 = tpu.vector_load %arg9[%get3A_975, %get3A_976] {strides = array<i32>} : memref<512x64xf32, #tpu.memory_space<vmem>>, vector<1x16xf32>,
      %get3A_978 = vector.shape_cast %get3A_977 : vector<1x16xf32> to vector<16xf32>
      %add3A_979 = arith.constant 14 : i32
      %add3A_980 = arith.addi %mul3A_190, %add3A_979 : i32
      %get3A_981 = arith.index_cast %add3A_980 : i32 to index
      %get3A_982 = arith.constant 16 : index
      %get3A_983 = tpu.vector_load %arg10[%get3A_981, %get3A_982] {strides = array<i32>} : memref<512x64xf32, #tpu.memory_space<vmem>>, vector<1x16xf32>,
      %get3A_984 = vector.shape_cast %get3A_983 : vector<1x16xf32> to vector<16xf32>
      %mul3A_985 = arith.mulf %get3A_978, %get3A_984 : vector<16xf32>
      %add3A_986 = arith.addf %mul3A_972, %mul3A_985 : vector<16xf32>
      %add3A_987 = arith.constant 14 : i32
      %add3A_988 = arith.addi %mul3A_190, %add3A_987 : i32
      %get3A_989 = arith.index_cast %add3A_988 : i32 to index
      %get3A_990 = arith.constant 32 : index
      %get3A_991 = tpu.vector_load %arg9[%get3A_989, %get3A_990] {strides = array<i32>} : memref<512x64xf32, #tpu.memory_space<vmem>>, vector<1x16xf32>,
      %get3A_992 = vector.shape_cast %get3A_991 : vector<1x16xf32> to vector<16xf32>
      %add3A_993 = arith.constant 14 : i32
      %add3A_994 = arith.addi %mul3A_190, %add3A_993 : i32
      %get3A_995 = arith.index_cast %add3A_994 : i32 to index
      %get3A_996 = arith.constant 32 : index
      %get3A_997 = tpu.vector_load %arg10[%get3A_995, %get3A_996] {strides = array<i32>} : memref<512x64xf32, #tpu.memory_space<vmem>>, vector<1x16xf32>,
      %get3A_998 = vector.shape_cast %get3A_997 : vector<1x16xf32> to vector<16xf32>
      %mul3A_999 = arith.mulf %get3A_992, %get3A_998 : vector<16xf32>
      %add3A_1000 = arith.addf %add3A_986, %mul3A_999 : vector<16xf32>
      %add3A_1001 = arith.constant 14 : i32
      %add3A_1002 = arith.addi %mul3A_190, %add3A_1001 : i32
      %get3A_1003 = arith.index_cast %add3A_1002 : i32 to index
      %get3A_1004 = arith.constant 48 : index
      %get3A_1005 = tpu.vector_load %arg9[%get3A_1003, %get3A_1004] {strides = array<i32>} : memref<512x64xf32, #tpu.memory_space<vmem>>, vector<1x16xf32>,
      %get3A_1006 = vector.shape_cast %get3A_1005 : vector<1x16xf32> to vector<16xf32>
      %add3A_1007 = arith.constant 14 : i32
      %add3A_1008 = arith.addi %mul3A_190, %add3A_1007 : i32
      %get3A_1009 = arith.index_cast %add3A_1008 : i32 to index
      %get3A_1010 = arith.constant 48 : index
      %get3A_1011 = tpu.vector_load %arg10[%get3A_1009, %get3A_1010] {strides = array<i32>} : memref<512x64xf32, #tpu.memory_space<vmem>>, vector<1x16xf32>,
      %get3A_1012 = vector.shape_cast %get3A_1011 : vector<1x16xf32> to vector<16xf32>
      %mul3A_1013 = arith.mulf %get3A_1006, %get3A_1012 : vector<16xf32>
      %add3A_1014 = arith.addf %add3A_1000, %mul3A_1013 : vector<16xf32>
      %add3A_1015 = arith.constant 15 : i32
      %add3A_1016 = arith.addi %mul3A_190, %add3A_1015 : i32
      %get3A_1017 = arith.index_cast %add3A_1016 : i32 to index
      %get3A_1018 = arith.constant 0 : index
      %get3A_1019 = tpu.vector_load %arg9[%get3A_1017, %get3A_1018] {strides = array<i32>} : memref<512x64xf32, #tpu.memory_space<vmem>>, vector<1x16xf32>,
      %get3A_1020 = vector.shape_cast %get3A_1019 : vector<1x16xf32> to vector<16xf32>
      %add3A_1021 = arith.constant 15 : i32
      %add3A_1022 = arith.addi %mul3A_190, %add3A_1021 : i32
      %get3A_1023 = arith.index_cast %add3A_1022 : i32 to index
      %get3A_1024 = arith.constant 0 : index
      %get3A_1025 = tpu.vector_load %arg10[%get3A_1023, %get3A_1024] {strides = array<i32>} : memref<512x64xf32, #tpu.memory_space<vmem>>, vector<1x16xf32>,
      %get3A_1026 = vector.shape_cast %get3A_1025 : vector<1x16xf32> to vector<16xf32>
      %mul3A_1027 = arith.mulf %get3A_1020, %get3A_1026 : vector<16xf32>
      %add3A_1028 = arith.constant 15 : i32
      %add3A_1029 = arith.addi %mul3A_190, %add3A_1028 : i32
      %get3A_1030 = arith.index_cast %add3A_1029 : i32 to index
      %get3A_1031 = arith.constant 16 : index
      %get3A_1032 = tpu.vector_load %arg9[%get3A_1030, %get3A_1031] {strides = array<i32>} : memref<512x64xf32, #tpu.memory_space<vmem>>, vector<1x16xf32>,
      %get3A_1033 = vector.shape_cast %get3A_1032 : vector<1x16xf32> to vector<16xf32>
      %add3A_1034 = arith.constant 15 : i32
      %add3A_1035 = arith.addi %mul3A_190, %add3A_1034 : i32
      %get3A_1036 = arith.index_cast %add3A_1035 : i32 to index
      %get3A_1037 = arith.constant 16 : index
      %get3A_1038 = tpu.vector_load %arg10[%get3A_1036, %get3A_1037] {strides = array<i32>} : memref<512x64xf32, #tpu.memory_space<vmem>>, vector<1x16xf32>,
      %get3A_1039 = vector.shape_cast %get3A_1038 : vector<1x16xf32> to vector<16xf32>
      %mul3A_1040 = arith.mulf %get3A_1033, %get3A_1039 : vector<16xf32>
      %add3A_1041 = arith.addf %mul3A_1027, %mul3A_1040 : vector<16xf32>
      %add3A_1042 = arith.constant 15 : i32
      %add3A_1043 = arith.addi %mul3A_190, %add3A_1042 : i32
      %get3A_1044 = arith.index_cast %add3A_1043 : i32 to index
      %get3A_1045 = arith.constant 32 : index
      %get3A_1046 = tpu.vector_load %arg9[%get3A_1044, %get3A_1045] {strides = array<i32>} : memref<512x64xf32, #tpu.memory_space<vmem>>, vector<1x16xf32>,
      %get3A_1047 = vector.shape_cast %get3A_1046 : vector<1x16xf32> to vector<16xf32>
      %add3A_1048 = arith.constant 15 : i32
      %add3A_1049 = arith.addi %mul3A_190, %add3A_1048 : i32
      %get3A_1050 = arith.index_cast %add3A_1049 : i32 to index
      %get3A_1051 = arith.constant 32 : index
      %get3A_1052 = tpu.vector_load %arg10[%get3A_1050, %get3A_1051] {strides = array<i32>} : memref<512x64xf32, #tpu.memory_space<vmem>>, vector<1x16xf32>,
      %get3A_1053 = vector.shape_cast %get3A_1052 : vector<1x16xf32> to vector<16xf32>
      %mul3A_1054 = arith.mulf %get3A_1047, %get3A_1053 : vector<16xf32>
      %add3A_1055 = arith.addf %add3A_1041, %mul3A_1054 : vector<16xf32>
      %add3A_1056 = arith.constant 15 : i32
      %add3A_1057 = arith.addi %mul3A_190, %add3A_1056 : i32
      %get3A_1058 = arith.index_cast %add3A_1057 : i32 to index
      %get3A_1059 = arith.constant 48 : index
      %get3A_1060 = tpu.vector_load %arg9[%get3A_1058, %get3A_1059] {strides = array<i32>} : memref<512x64xf32, #tpu.memory_space<vmem>>, vector<1x16xf32>,
      %get3A_1061 = vector.shape_cast %get3A_1060 : vector<1x16xf32> to vector<16xf32>
      %add3A_1062 = arith.constant 15 : i32
      %add3A_1063 = arith.addi %mul3A_190, %add3A_1062 : i32
      %get3A_1064 = arith.index_cast %add3A_1063 : i32 to index
      %get3A_1065 = arith.constant 48 : index
      %get3A_1066 = tpu.vector_load %arg10[%get3A_1064, %get3A_1065] {strides = array<i32>} : memref<512x64xf32, #tpu.memory_space<vmem>>, vector<1x16xf32>,
      %get3A_1067 = vector.shape_cast %get3A_1066 : vector<1x16xf32> to vector<16xf32>
      %mul3A_1068 = arith.mulf %get3A_1061, %get3A_1067 : vector<16xf32>
      %add3A_1069 = arith.addf %add3A_1055, %mul3A_1068 : vector<16xf32>
      %and3A = arith.constant 1 : i32
      %and3A_1070 = vector.broadcast %and3A : i32 to vector<16xi32>
      %and3A_1071 = arith.andi %iota3A, %and3A_1070 : vector<16xi32>
      %eq3A = arith.constant 0 : i32
      %eq3A_1072 = vector.broadcast %eq3A : i32 to vector<16xi32>
      %eq3A_1073 = arith.cmpi eq, %and3A_1071, %eq3A_1072 : vector<16xi32>
      %xor3A = arith.constant 1 : i32
      %xor3A_1074 = vector.broadcast %xor3A : i32 to vector<16xi32>
      %xor3A_1075 = arith.xori %iota3A, %xor3A_1074 : vector<16xi32>
      %lt3A = arith.constant 0 : i32
      %lt3A_1076 = vector.broadcast %lt3A : i32 to vector<16xi32>
      %lt3A_1077 = arith.cmpi slt, %xor3A_1075, %lt3A_1076 : vector<16xi32>
      %add3A_1078 = arith.constant 16 : i32
      %add3A_1079 = vector.broadcast %add3A_1078 : i32 to vector<16xi32>
      %add3A_1080 = arith.addi %xor3A_1075, %add3A_1079 : vector<16xi32>
      %select_n3A = arith.select %lt3A_1077, %add3A_1080, %xor3A_1075 : vector<16xi1>, vector<16xi32>
      %broadcast_in_dim3A = vector.shape_cast %select_n3A : vector<16xi32> to vector<16x1xi32>
      %gather3A = vector.shape_cast %broadcast_in_dim3A : vector<16x1xi32> to vector<16xi32>
      %gather3A_1081 = tpu.dynamic_gather %add3A_299[%gather3A] in [0] : vector<16xf32>, vector<16xi32> -> vector<16xf32>
      %select_n3A_1082 = arith.select %eq3A_1073, %add3A_244, %gather3A_1081 : vector<16xi1>, vector<16xf32>
      %xor3A_1083 = arith.constant 1 : i32
      %xor3A_1084 = vector.broadcast %xor3A_1083 : i32 to vector<16xi32>
      %xor3A_1085 = arith.xori %iota3A, %xor3A_1084 : vector<16xi32>
      %lt3A_1086 = arith.constant 0 : i32
      %lt3A_1087 = vector.broadcast %lt3A_1086 : i32 to vector<16xi32>
      %lt3A_1088 = arith.cmpi slt, %xor3A_1085, %lt3A_1087 : vector<16xi32>
      %add3A_1089 = arith.constant 16 : i32
      %add3A_1090 = vector.broadcast %add3A_1089 : i32 to vector<16xi32>
      %add3A_1091 = arith.addi %xor3A_1085, %add3A_1090 : vector<16xi32>
      %select_n3A_1092 = arith.select %lt3A_1088, %add3A_1091, %xor3A_1085 : vector<16xi1>, vector<16xi32>
      %broadcast_in_dim3A_1093 = vector.shape_cast %select_n3A_1092 : vector<16xi32> to vector<16x1xi32>
      %gather3A_1094 = vector.shape_cast %broadcast_in_dim3A_1093 : vector<16x1xi32> to vector<16xi32>
      %gather3A_1095 = tpu.dynamic_gather %add3A_244[%gather3A_1094] in [0] : vector<16xf32>, vector<16xi32> -> vector<16xf32>
      %select_n3A_1096 = arith.select %eq3A_1073, %gather3A_1095, %add3A_299 : vector<16xi1>, vector<16xf32>
      %add3A_1097 = arith.addf %select_n3A_1082, %select_n3A_1096 : vector<16xf32>
      %xor3A_1098 = arith.constant 1 : i32
      %xor3A_1099 = vector.broadcast %xor3A_1098 : i32 to vector<16xi32>
      %xor3A_1100 = arith.xori %iota3A, %xor3A_1099 : vector<16xi32>
      %lt3A_1101 = arith.constant 0 : i32
      %lt3A_1102 = vector.broadcast %lt3A_1101 : i32 to vector<16xi32>
      %lt3A_1103 = arith.cmpi slt, %xor3A_1100, %lt3A_1102 : vector<16xi32>
      %add3A_1104 = arith.constant 16 : i32
      %add3A_1105 = vector.broadcast %add3A_1104 : i32 to vector<16xi32>
      %add3A_1106 = arith.addi %xor3A_1100, %add3A_1105 : vector<16xi32>
      %select_n3A_1107 = arith.select %lt3A_1103, %add3A_1106, %xor3A_1100 : vector<16xi1>, vector<16xi32>
      %broadcast_in_dim3A_1108 = vector.shape_cast %select_n3A_1107 : vector<16xi32> to vector<16x1xi32>
      %gather3A_1109 = vector.shape_cast %broadcast_in_dim3A_1108 : vector<16x1xi32> to vector<16xi32>
      %gather3A_1110 = tpu.dynamic_gather %add3A_409[%gather3A_1109] in [0] : vector<16xf32>, vector<16xi32> -> vector<16xf32>
      %select_n3A_1111 = arith.select %eq3A_1073, %add3A_354, %gather3A_1110 : vector<16xi1>, vector<16xf32>
      %xor3A_1112 = arith.constant 1 : i32
      %xor3A_1113 = vector.broadcast %xor3A_1112 : i32 to vector<16xi32>
      %xor3A_1114 = arith.xori %iota3A, %xor3A_1113 : vector<16xi32>
      %lt3A_1115 = arith.constant 0 : i32
      %lt3A_1116 = vector.broadcast %lt3A_1115 : i32 to vector<16xi32>
      %lt3A_1117 = arith.cmpi slt, %xor3A_1114, %lt3A_1116 : vector<16xi32>
      %add3A_1118 = arith.constant 16 : i32
      %add3A_1119 = vector.broadcast %add3A_1118 : i32 to vector<16xi32>
      %add3A_1120 = arith.addi %xor3A_1114, %add3A_1119 : vector<16xi32>
      %select_n3A_1121 = arith.select %lt3A_1117, %add3A_1120, %xor3A_1114 : vector<16xi1>, vector<16xi32>
      %broadcast_in_dim3A_1122 = vector.shape_cast %select_n3A_1121 : vector<16xi32> to vector<16x1xi32>
      %gather3A_1123 = vector.shape_cast %broadcast_in_dim3A_1122 : vector<16x1xi32> to vector<16xi32>
      %gather3A_1124 = tpu.dynamic_gather %add3A_354[%gather3A_1123] in [0] : vector<16xf32>, vector<16xi32> -> vector<16xf32>
      %select_n3A_1125 = arith.select %eq3A_1073, %gather3A_1124, %add3A_409 : vector<16xi1>, vector<16xf32>
      %add3A_1126 = arith.addf %select_n3A_1111, %select_n3A_1125 : vector<16xf32>
      %xor3A_1127 = arith.constant 1 : i32
      %xor3A_1128 = vector.broadcast %xor3A_1127 : i32 to vector<16xi32>
      %xor3A_1129 = arith.xori %iota3A, %xor3A_1128 : vector<16xi32>
      %lt3A_1130 = arith.constant 0 : i32
      %lt3A_1131 = vector.broadcast %lt3A_1130 : i32 to vector<16xi32>
      %lt3A_1132 = arith.cmpi slt, %xor3A_1129, %lt3A_1131 : vector<16xi32>
      %add3A_1133 = arith.constant 16 : i32
      %add3A_1134 = vector.broadcast %add3A_1133 : i32 to vector<16xi32>
      %add3A_1135 = arith.addi %xor3A_1129, %add3A_1134 : vector<16xi32>
      %select_n3A_1136 = arith.select %lt3A_1132, %add3A_1135, %xor3A_1129 : vector<16xi1>, vector<16xi32>
      %broadcast_in_dim3A_1137 = vector.shape_cast %select_n3A_1136 : vector<16xi32> to vector<16x1xi32>
      %gather3A_1138 = vector.shape_cast %broadcast_in_dim3A_1137 : vector<16x1xi32> to vector<16xi32>
      %gather3A_1139 = tpu.dynamic_gather %add3A_519[%gather3A_1138] in [0] : vector<16xf32>, vector<16xi32> -> vector<16xf32>
      %select_n3A_1140 = arith.select %eq3A_1073, %add3A_464, %gather3A_1139 : vector<16xi1>, vector<16xf32>
      %xor3A_1141 = arith.constant 1 : i32
      %xor3A_1142 = vector.broadcast %xor3A_1141 : i32 to vector<16xi32>
      %xor3A_1143 = arith.xori %iota3A, %xor3A_1142 : vector<16xi32>
      %lt3A_1144 = arith.constant 0 : i32
      %lt3A_1145 = vector.broadcast %lt3A_1144 : i32 to vector<16xi32>
      %lt3A_1146 = arith.cmpi slt, %xor3A_1143, %lt3A_1145 : vector<16xi32>
      %add3A_1147 = arith.constant 16 : i32
      %add3A_1148 = vector.broadcast %add3A_1147 : i32 to vector<16xi32>
      %add3A_1149 = arith.addi %xor3A_1143, %add3A_1148 : vector<16xi32>
      %select_n3A_1150 = arith.select %lt3A_1146, %add3A_1149, %xor3A_1143 : vector<16xi1>, vector<16xi32>
      %broadcast_in_dim3A_1151 = vector.shape_cast %select_n3A_1150 : vector<16xi32> to vector<16x1xi32>
      %gather3A_1152 = vector.shape_cast %broadcast_in_dim3A_1151 : vector<16x1xi32> to vector<16xi32>
      %gather3A_1153 = tpu.dynamic_gather %add3A_464[%gather3A_1152] in [0] : vector<16xf32>, vector<16xi32> -> vector<16xf32>
      %select_n3A_1154 = arith.select %eq3A_1073, %gather3A_1153, %add3A_519 : vector<16xi1>, vector<16xf32>
      %add3A_1155 = arith.addf %select_n3A_1140, %select_n3A_1154 : vector<16xf32>
      %xor3A_1156 = arith.constant 1 : i32
      %xor3A_1157 = vector.broadcast %xor3A_1156 : i32 to vector<16xi32>
      %xor3A_1158 = arith.xori %iota3A, %xor3A_1157 : vector<16xi32>
      %lt3A_1159 = arith.constant 0 : i32
      %lt3A_1160 = vector.broadcast %lt3A_1159 : i32 to vector<16xi32>
      %lt3A_1161 = arith.cmpi slt, %xor3A_1158, %lt3A_1160 : vector<16xi32>
      %add3A_1162 = arith.constant 16 : i32
      %add3A_1163 = vector.broadcast %add3A_1162 : i32 to vector<16xi32>
      %add3A_1164 = arith.addi %xor3A_1158, %add3A_1163 : vector<16xi32>
      %select_n3A_1165 = arith.select %lt3A_1161, %add3A_1164, %xor3A_1158 : vector<16xi1>, vector<16xi32>
      %broadcast_in_dim3A_1166 = vector.shape_cast %select_n3A_1165 : vector<16xi32> to vector<16x1xi32>
      %gather3A_1167 = vector.shape_cast %broadcast_in_dim3A_1166 : vector<16x1xi32> to vector<16xi32>
      %gather3A_1168 = tpu.dynamic_gather %add3A_629[%gather3A_1167] in [0] : vector<16xf32>, vector<16xi32> -> vector<16xf32>
      %select_n3A_1169 = arith.select %eq3A_1073, %add3A_574, %gather3A_1168 : vector<16xi1>, vector<16xf32>
      %xor3A_1170 = arith.constant 1 : i32
      %xor3A_1171 = vector.broadcast %xor3A_1170 : i32 to vector<16xi32>
      %xor3A_1172 = arith.xori %iota3A, %xor3A_1171 : vector<16xi32>
      %lt3A_1173 = arith.constant 0 : i32
      %lt3A_1174 = vector.broadcast %lt3A_1173 : i32 to vector<16xi32>
      %lt3A_1175 = arith.cmpi slt, %xor3A_1172, %lt3A_1174 : vector<16xi32>
      %add3A_1176 = arith.constant 16 : i32
      %add3A_1177 = vector.broadcast %add3A_1176 : i32 to vector<16xi32>
      %add3A_1178 = arith.addi %xor3A_1172, %add3A_1177 : vector<16xi32>
      %select_n3A_1179 = arith.select %lt3A_1175, %add3A_1178, %xor3A_1172 : vector<16xi1>, vector<16xi32>
      %broadcast_in_dim3A_1180 = vector.shape_cast %select_n3A_1179 : vector<16xi32> to vector<16x1xi32>
      %gather3A_1181 = vector.shape_cast %broadcast_in_dim3A_1180 : vector<16x1xi32> to vector<16xi32>
      %gather3A_1182 = tpu.dynamic_gather %add3A_574[%gather3A_1181] in [0] : vector<16xf32>, vector<16xi32> -> vector<16xf32>
      %select_n3A_1183 = arith.select %eq3A_1073, %gather3A_1182, %add3A_629 : vector<16xi1>, vector<16xf32>
      %add3A_1184 = arith.addf %select_n3A_1169, %select_n3A_1183 : vector<16xf32>
      %xor3A_1185 = arith.constant 1 : i32
      %xor3A_1186 = vector.broadcast %xor3A_1185 : i32 to vector<16xi32>
      %xor3A_1187 = arith.xori %iota3A, %xor3A_1186 : vector<16xi32>
      %lt3A_1188 = arith.constant 0 : i32
      %lt3A_1189 = vector.broadcast %lt3A_1188 : i32 to vector<16xi32>
      %lt3A_1190 = arith.cmpi slt, %xor3A_1187, %lt3A_1189 : vector<16xi32>
      %add3A_1191 = arith.constant 16 : i32
      %add3A_1192 = vector.broadcast %add3A_1191 : i32 to vector<16xi32>
      %add3A_1193 = arith.addi %xor3A_1187, %add3A_1192 : vector<16xi32>
      %select_n3A_1194 = arith.select %lt3A_1190, %add3A_1193, %xor3A_1187 : vector<16xi1>, vector<16xi32>
      %broadcast_in_dim3A_1195 = vector.shape_cast %select_n3A_1194 : vector<16xi32> to vector<16x1xi32>
      %gather3A_1196 = vector.shape_cast %broadcast_in_dim3A_1195 : vector<16x1xi32> to vector<16xi32>
      %gather3A_1197 = tpu.dynamic_gather %add3A_739[%gather3A_1196] in [0] : vector<16xf32>, vector<16xi32> -> vector<16xf32>
      %select_n3A_1198 = arith.select %eq3A_1073, %add3A_684, %gather3A_1197 : vector<16xi1>, vector<16xf32>
      %xor3A_1199 = arith.constant 1 : i32
      %xor3A_1200 = vector.broadcast %xor3A_1199 : i32 to vector<16xi32>
      %xor3A_1201 = arith.xori %iota3A, %xor3A_1200 : vector<16xi32>
      %lt3A_1202 = arith.constant 0 : i32
      %lt3A_1203 = vector.broadcast %lt3A_1202 : i32 to vector<16xi32>
      %lt3A_1204 = arith.cmpi slt, %xor3A_1201, %lt3A_1203 : vector<16xi32>
      %add3A_1205 = arith.constant 16 : i32
      %add3A_1206 = vector.broadcast %add3A_1205 : i32 to vector<16xi32>
      %add3A_1207 = arith.addi %xor3A_1201, %add3A_1206 : vector<16xi32>
      %select_n3A_1208 = arith.select %lt3A_1204, %add3A_1207, %xor3A_1201 : vector<16xi1>, vector<16xi32>
      %broadcast_in_dim3A_1209 = vector.shape_cast %select_n3A_1208 : vector<16xi32> to vector<16x1xi32>
      %gather3A_1210 = vector.shape_cast %broadcast_in_dim3A_1209 : vector<16x1xi32> to vector<16xi32>
      %gather3A_1211 = tpu.dynamic_gather %add3A_684[%gather3A_1210] in [0] : vector<16xf32>, vector<16xi32> -> vector<16xf32>
      %select_n3A_1212 = arith.select %eq3A_1073, %gather3A_1211, %add3A_739 : vector<16xi1>, vector<16xf32>
      %add3A_1213 = arith.addf %select_n3A_1198, %select_n3A_1212 : vector<16xf32>
      %xor3A_1214 = arith.constant 1 : i32
      %xor3A_1215 = vector.broadcast %xor3A_1214 : i32 to vector<16xi32>
      %xor3A_1216 = arith.xori %iota3A, %xor3A_1215 : vector<16xi32>
      %lt3A_1217 = arith.constant 0 : i32
      %lt3A_1218 = vector.broadcast %lt3A_1217 : i32 to vector<16xi32>
      %lt3A_1219 = arith.cmpi slt, %xor3A_1216, %lt3A_1218 : vector<16xi32>
      %add3A_1220 = arith.constant 16 : i32
      %add3A_1221 = vector.broadcast %add3A_1220 : i32 to vector<16xi32>
      %add3A_1222 = arith.addi %xor3A_1216, %add3A_1221 : vector<16xi32>
      %select_n3A_1223 = arith.select %lt3A_1219, %add3A_1222, %xor3A_1216 : vector<16xi1>, vector<16xi32>
      %broadcast_in_dim3A_1224 = vector.shape_cast %select_n3A_1223 : vector<16xi32> to vector<16x1xi32>
      %gather3A_1225 = vector.shape_cast %broadcast_in_dim3A_1224 : vector<16x1xi32> to vector<16xi32>
      %gather3A_1226 = tpu.dynamic_gather %add3A_849[%gather3A_1225] in [0] : vector<16xf32>, vector<16xi32> -> vector<16xf32>
      %select_n3A_1227 = arith.select %eq3A_1073, %add3A_794, %gather3A_1226 : vector<16xi1>, vector<16xf32>
      %xor3A_1228 = arith.constant 1 : i32
      %xor3A_1229 = vector.broadcast %xor3A_1228 : i32 to vector<16xi32>
      %xor3A_1230 = arith.xori %iota3A, %xor3A_1229 : vector<16xi32>
      %lt3A_1231 = arith.constant 0 : i32
      %lt3A_1232 = vector.broadcast %lt3A_1231 : i32 to vector<16xi32>
      %lt3A_1233 = arith.cmpi slt, %xor3A_1230, %lt3A_1232 : vector<16xi32>
      %add3A_1234 = arith.constant 16 : i32
      %add3A_1235 = vector.broadcast %add3A_1234 : i32 to vector<16xi32>
      %add3A_1236 = arith.addi %xor3A_1230, %add3A_1235 : vector<16xi32>
      %select_n3A_1237 = arith.select %lt3A_1233, %add3A_1236, %xor3A_1230 : vector<16xi1>, vector<16xi32>
      %broadcast_in_dim3A_1238 = vector.shape_cast %select_n3A_1237 : vector<16xi32> to vector<16x1xi32>
      %gather3A_1239 = vector.shape_cast %broadcast_in_dim3A_1238 : vector<16x1xi32> to vector<16xi32>
      %gather3A_1240 = tpu.dynamic_gather %add3A_794[%gather3A_1239] in [0] : vector<16xf32>, vector<16xi32> -> vector<16xf32>
      %select_n3A_1241 = arith.select %eq3A_1073, %gather3A_1240, %add3A_849 : vector<16xi1>, vector<16xf32>
      %add3A_1242 = arith.addf %select_n3A_1227, %select_n3A_1241 : vector<16xf32>
      %xor3A_1243 = arith.constant 1 : i32
      %xor3A_1244 = vector.broadcast %xor3A_1243 : i32 to vector<16xi32>
      %xor3A_1245 = arith.xori %iota3A, %xor3A_1244 : vector<16xi32>
      %lt3A_1246 = arith.constant 0 : i32
      %lt3A_1247 = vector.broadcast %lt3A_1246 : i32 to vector<16xi32>
      %lt3A_1248 = arith.cmpi slt, %xor3A_1245, %lt3A_1247 : vector<16xi32>
      %add3A_1249 = arith.constant 16 : i32
      %add3A_1250 = vector.broadcast %add3A_1249 : i32 to vector<16xi32>
      %add3A_1251 = arith.addi %xor3A_1245, %add3A_1250 : vector<16xi32>
      %select_n3A_1252 = arith.select %lt3A_1248, %add3A_1251, %xor3A_1245 : vector<16xi1>, vector<16xi32>
      %broadcast_in_dim3A_1253 = vector.shape_cast %select_n3A_1252 : vector<16xi32> to vector<16x1xi32>
      %gather3A_1254 = vector.shape_cast %broadcast_in_dim3A_1253 : vector<16x1xi32> to vector<16xi32>
      %gather3A_1255 = tpu.dynamic_gather %add3A_959[%gather3A_1254] in [0] : vector<16xf32>, vector<16xi32> -> vector<16xf32>
      %select_n3A_1256 = arith.select %eq3A_1073, %add3A_904, %gather3A_1255 : vector<16xi1>, vector<16xf32>
      %xor3A_1257 = arith.constant 1 : i32
      %xor3A_1258 = vector.broadcast %xor3A_1257 : i32 to vector<16xi32>
      %xor3A_1259 = arith.xori %iota3A, %xor3A_1258 : vector<16xi32>
      %lt3A_1260 = arith.constant 0 : i32
      %lt3A_1261 = vector.broadcast %lt3A_1260 : i32 to vector<16xi32>
      %lt3A_1262 = arith.cmpi slt, %xor3A_1259, %lt3A_1261 : vector<16xi32>
      %add3A_1263 = arith.constant 16 : i32
      %add3A_1264 = vector.broadcast %add3A_1263 : i32 to vector<16xi32>
      %add3A_1265 = arith.addi %xor3A_1259, %add3A_1264 : vector<16xi32>
      %select_n3A_1266 = arith.select %lt3A_1262, %add3A_1265, %xor3A_1259 : vector<16xi1>, vector<16xi32>
      %broadcast_in_dim3A_1267 = vector.shape_cast %select_n3A_1266 : vector<16xi32> to vector<16x1xi32>
      %gather3A_1268 = vector.shape_cast %broadcast_in_dim3A_1267 : vector<16x1xi32> to vector<16xi32>
      %gather3A_1269 = tpu.dynamic_gather %add3A_904[%gather3A_1268] in [0] : vector<16xf32>, vector<16xi32> -> vector<16xf32>
      %select_n3A_1270 = arith.select %eq3A_1073, %gather3A_1269, %add3A_959 : vector<16xi1>, vector<16xf32>
      %add3A_1271 = arith.addf %select_n3A_1256, %select_n3A_1270 : vector<16xf32>
      %xor3A_1272 = arith.constant 1 : i32
      %xor3A_1273 = vector.broadcast %xor3A_1272 : i32 to vector<16xi32>
      %xor3A_1274 = arith.xori %iota3A, %xor3A_1273 : vector<16xi32>
      %lt3A_1275 = arith.constant 0 : i32
      %lt3A_1276 = vector.broadcast %lt3A_1275 : i32 to vector<16xi32>
      %lt3A_1277 = arith.cmpi slt, %xor3A_1274, %lt3A_1276 : vector<16xi32>
      %add3A_1278 = arith.constant 16 : i32
      %add3A_1279 = vector.broadcast %add3A_1278 : i32 to vector<16xi32>
      %add3A_1280 = arith.addi %xor3A_1274, %add3A_1279 : vector<16xi32>
      %select_n3A_1281 = arith.select %lt3A_1277, %add3A_1280, %xor3A_1274 : vector<16xi1>, vector<16xi32>
      %broadcast_in_dim3A_1282 = vector.shape_cast %select_n3A_1281 : vector<16xi32> to vector<16x1xi32>
      %gather3A_1283 = vector.shape_cast %broadcast_in_dim3A_1282 : vector<16x1xi32> to vector<16xi32>
      %gather3A_1284 = tpu.dynamic_gather %add3A_1069[%gather3A_1283] in [0] : vector<16xf32>, vector<16xi32> -> vector<16xf32>
      %select_n3A_1285 = arith.select %eq3A_1073, %add3A_1014, %gather3A_1284 : vector<16xi1>, vector<16xf32>
      %xor3A_1286 = arith.constant 1 : i32
      %xor3A_1287 = vector.broadcast %xor3A_1286 : i32 to vector<16xi32>
      %xor3A_1288 = arith.xori %iota3A, %xor3A_1287 : vector<16xi32>
      %lt3A_1289 = arith.constant 0 : i32
      %lt3A_1290 = vector.broadcast %lt3A_1289 : i32 to vector<16xi32>
      %lt3A_1291 = arith.cmpi slt, %xor3A_1288, %lt3A_1290 : vector<16xi32>
      %add3A_1292 = arith.constant 16 : i32
      %add3A_1293 = vector.broadcast %add3A_1292 : i32 to vector<16xi32>
      %add3A_1294 = arith.addi %xor3A_1288, %add3A_1293 : vector<16xi32>
      %select_n3A_1295 = arith.select %lt3A_1291, %add3A_1294, %xor3A_1288 : vector<16xi1>, vector<16xi32>
      %broadcast_in_dim3A_1296 = vector.shape_cast %select_n3A_1295 : vector<16xi32> to vector<16x1xi32>
      %gather3A_1297 = vector.shape_cast %broadcast_in_dim3A_1296 : vector<16x1xi32> to vector<16xi32>
      %gather3A_1298 = tpu.dynamic_gather %add3A_1014[%gather3A_1297] in [0] : vector<16xf32>, vector<16xi32> -> vector<16xf32>
      %select_n3A_1299 = arith.select %eq3A_1073, %gather3A_1298, %add3A_1069 : vector<16xi1>, vector<16xf32>
      %add3A_1300 = arith.addf %select_n3A_1285, %select_n3A_1299 : vector<16xf32>
      %and3A_1301 = arith.constant 2 : i32
      %and3A_1302 = vector.broadcast %and3A_1301 : i32 to vector<16xi32>
      %and3A_1303 = arith.andi %iota3A, %and3A_1302 : vector<16xi32>
      %eq3A_1304 = arith.constant 0 : i32
      %eq3A_1305 = vector.broadcast %eq3A_1304 : i32 to vector<16xi32>
      %eq3A_1306 = arith.cmpi eq, %and3A_1303, %eq3A_1305 : vector<16xi32>
      %xor3A_1307 = arith.constant 2 : i32
      %xor3A_1308 = vector.broadcast %xor3A_1307 : i32 to vector<16xi32>
      %xor3A_1309 = arith.xori %iota3A, %xor3A_1308 : vector<16xi32>
      %lt3A_1310 = arith.constant 0 : i32
      %lt3A_1311 = vector.broadcast %lt3A_1310 : i32 to vector<16xi32>
      %lt3A_1312 = arith.cmpi slt, %xor3A_1309, %lt3A_1311 : vector<16xi32>
      %add3A_1313 = arith.constant 16 : i32
      %add3A_1314 = vector.broadcast %add3A_1313 : i32 to vector<16xi32>
      %add3A_1315 = arith.addi %xor3A_1309, %add3A_1314 : vector<16xi32>
      %select_n3A_1316 = arith.select %lt3A_1312, %add3A_1315, %xor3A_1309 : vector<16xi1>, vector<16xi32>
      %broadcast_in_dim3A_1317 = vector.shape_cast %select_n3A_1316 : vector<16xi32> to vector<16x1xi32>
      %gather3A_1318 = vector.shape_cast %broadcast_in_dim3A_1317 : vector<16x1xi32> to vector<16xi32>
      %gather3A_1319 = tpu.dynamic_gather %add3A_1126[%gather3A_1318] in [0] : vector<16xf32>, vector<16xi32> -> vector<16xf32>
      %select_n3A_1320 = arith.select %eq3A_1306, %add3A_1097, %gather3A_1319 : vector<16xi1>, vector<16xf32>
      %xor3A_1321 = arith.constant 2 : i32
      %xor3A_1322 = vector.broadcast %xor3A_1321 : i32 to vector<16xi32>
      %xor3A_1323 = arith.xori %iota3A, %xor3A_1322 : vector<16xi32>
      %lt3A_1324 = arith.constant 0 : i32
      %lt3A_1325 = vector.broadcast %lt3A_1324 : i32 to vector<16xi32>
      %lt3A_1326 = arith.cmpi slt, %xor3A_1323, %lt3A_1325 : vector<16xi32>
      %add3A_1327 = arith.constant 16 : i32
      %add3A_1328 = vector.broadcast %add3A_1327 : i32 to vector<16xi32>
      %add3A_1329 = arith.addi %xor3A_1323, %add3A_1328 : vector<16xi32>
      %select_n3A_1330 = arith.select %lt3A_1326, %add3A_1329, %xor3A_1323 : vector<16xi1>, vector<16xi32>
      %broadcast_in_dim3A_1331 = vector.shape_cast %select_n3A_1330 : vector<16xi32> to vector<16x1xi32>
      %gather3A_1332 = vector.shape_cast %broadcast_in_dim3A_1331 : vector<16x1xi32> to vector<16xi32>
      %gather3A_1333 = tpu.dynamic_gather %add3A_1097[%gather3A_1332] in [0] : vector<16xf32>, vector<16xi32> -> vector<16xf32>
      %select_n3A_1334 = arith.select %eq3A_1306, %gather3A_1333, %add3A_1126 : vector<16xi1>, vector<16xf32>
      %add3A_1335 = arith.addf %select_n3A_1320, %select_n3A_1334 : vector<16xf32>
      %xor3A_1336 = arith.constant 2 : i32
      %xor3A_1337 = vector.broadcast %xor3A_1336 : i32 to vector<16xi32>
      %xor3A_1338 = arith.xori %iota3A, %xor3A_1337 : vector<16xi32>
      %lt3A_1339 = arith.constant 0 : i32
      %lt3A_1340 = vector.broadcast %lt3A_1339 : i32 to vector<16xi32>
      %lt3A_1341 = arith.cmpi slt, %xor3A_1338, %lt3A_1340 : vector<16xi32>
      %add3A_1342 = arith.constant 16 : i32
      %add3A_1343 = vector.broadcast %add3A_1342 : i32 to vector<16xi32>
      %add3A_1344 = arith.addi %xor3A_1338, %add3A_1343 : vector<16xi32>
      %select_n3A_1345 = arith.select %lt3A_1341, %add3A_1344, %xor3A_1338 : vector<16xi1>, vector<16xi32>
      %broadcast_in_dim3A_1346 = vector.shape_cast %select_n3A_1345 : vector<16xi32> to vector<16x1xi32>
      %gather3A_1347 = vector.shape_cast %broadcast_in_dim3A_1346 : vector<16x1xi32> to vector<16xi32>
      %gather3A_1348 = tpu.dynamic_gather %add3A_1184[%gather3A_1347] in [0] : vector<16xf32>, vector<16xi32> -> vector<16xf32>
      %select_n3A_1349 = arith.select %eq3A_1306, %add3A_1155, %gather3A_1348 : vector<16xi1>, vector<16xf32>
      %xor3A_1350 = arith.constant 2 : i32
      %xor3A_1351 = vector.broadcast %xor3A_1350 : i32 to vector<16xi32>
      %xor3A_1352 = arith.xori %iota3A, %xor3A_1351 : vector<16xi32>
      %lt3A_1353 = arith.constant 0 : i32
      %lt3A_1354 = vector.broadcast %lt3A_1353 : i32 to vector<16xi32>
      %lt3A_1355 = arith.cmpi slt, %xor3A_1352, %lt3A_1354 : vector<16xi32>
      %add3A_1356 = arith.constant 16 : i32
      %add3A_1357 = vector.broadcast %add3A_1356 : i32 to vector<16xi32>
      %add3A_1358 = arith.addi %xor3A_1352, %add3A_1357 : vector<16xi32>
      %select_n3A_1359 = arith.select %lt3A_1355, %add3A_1358, %xor3A_1352 : vector<16xi1>, vector<16xi32>
      %broadcast_in_dim3A_1360 = vector.shape_cast %select_n3A_1359 : vector<16xi32> to vector<16x1xi32>
      %gather3A_1361 = vector.shape_cast %broadcast_in_dim3A_1360 : vector<16x1xi32> to vector<16xi32>
      %gather3A_1362 = tpu.dynamic_gather %add3A_1155[%gather3A_1361] in [0] : vector<16xf32>, vector<16xi32> -> vector<16xf32>
      %select_n3A_1363 = arith.select %eq3A_1306, %gather3A_1362, %add3A_1184 : vector<16xi1>, vector<16xf32>
      %add3A_1364 = arith.addf %select_n3A_1349, %select_n3A_1363 : vector<16xf32>
      %xor3A_1365 = arith.constant 2 : i32
      %xor3A_1366 = vector.broadcast %xor3A_1365 : i32 to vector<16xi32>
      %xor3A_1367 = arith.xori %iota3A, %xor3A_1366 : vector<16xi32>
      %lt3A_1368 = arith.constant 0 : i32
      %lt3A_1369 = vector.broadcast %lt3A_1368 : i32 to vector<16xi32>
      %lt3A_1370 = arith.cmpi slt, %xor3A_1367, %lt3A_1369 : vector<16xi32>
      %add3A_1371 = arith.constant 16 : i32
      %add3A_1372 = vector.broadcast %add3A_1371 : i32 to vector<16xi32>
      %add3A_1373 = arith.addi %xor3A_1367, %add3A_1372 : vector<16xi32>
      %select_n3A_1374 = arith.select %lt3A_1370, %add3A_1373, %xor3A_1367 : vector<16xi1>, vector<16xi32>
      %broadcast_in_dim3A_1375 = vector.shape_cast %select_n3A_1374 : vector<16xi32> to vector<16x1xi32>
      %gather3A_1376 = vector.shape_cast %broadcast_in_dim3A_1375 : vector<16x1xi32> to vector<16xi32>
      %gather3A_1377 = tpu.dynamic_gather %add3A_1242[%gather3A_1376] in [0] : vector<16xf32>, vector<16xi32> -> vector<16xf32>
      %select_n3A_1378 = arith.select %eq3A_1306, %add3A_1213, %gather3A_1377 : vector<16xi1>, vector<16xf32>
      %xor3A_1379 = arith.constant 2 : i32
      %xor3A_1380 = vector.broadcast %xor3A_1379 : i32 to vector<16xi32>
      %xor3A_1381 = arith.xori %iota3A, %xor3A_1380 : vector<16xi32>
      %lt3A_1382 = arith.constant 0 : i32
      %lt3A_1383 = vector.broadcast %lt3A_1382 : i32 to vector<16xi32>
      %lt3A_1384 = arith.cmpi slt, %xor3A_1381, %lt3A_1383 : vector<16xi32>
      %add3A_1385 = arith.constant 16 : i32
      %add3A_1386 = vector.broadcast %add3A_1385 : i32 to vector<16xi32>
      %add3A_1387 = arith.addi %xor3A_1381, %add3A_1386 : vector<16xi32>
      %select_n3A_1388 = arith.select %lt3A_1384, %add3A_1387, %xor3A_1381 : vector<16xi1>, vector<16xi32>
      %broadcast_in_dim3A_1389 = vector.shape_cast %select_n3A_1388 : vector<16xi32> to vector<16x1xi32>
      %gather3A_1390 = vector.shape_cast %broadcast_in_dim3A_1389 : vector<16x1xi32> to vector<16xi32>
      %gather3A_1391 = tpu.dynamic_gather %add3A_1213[%gather3A_1390] in [0] : vector<16xf32>, vector<16xi32> -> vector<16xf32>
      %select_n3A_1392 = arith.select %eq3A_1306, %gather3A_1391, %add3A_1242 : vector<16xi1>, vector<16xf32>
      %add3A_1393 = arith.addf %select_n3A_1378, %select_n3A_1392 : vector<16xf32>
      %xor3A_1394 = arith.constant 2 : i32
      %xor3A_1395 = vector.broadcast %xor3A_1394 : i32 to vector<16xi32>
      %xor3A_1396 = arith.xori %iota3A, %xor3A_1395 : vector<16xi32>
      %lt3A_1397 = arith.constant 0 : i32
      %lt3A_1398 = vector.broadcast %lt3A_1397 : i32 to vector<16xi32>
      %lt3A_1399 = arith.cmpi slt, %xor3A_1396, %lt3A_1398 : vector<16xi32>
      %add3A_1400 = arith.constant 16 : i32
      %add3A_1401 = vector.broadcast %add3A_1400 : i32 to vector<16xi32>
      %add3A_1402 = arith.addi %xor3A_1396, %add3A_1401 : vector<16xi32>
      %select_n3A_1403 = arith.select %lt3A_1399, %add3A_1402, %xor3A_1396 : vector<16xi1>, vector<16xi32>
      %broadcast_in_dim3A_1404 = vector.shape_cast %select_n3A_1403 : vector<16xi32> to vector<16x1xi32>
      %gather3A_1405 = vector.shape_cast %broadcast_in_dim3A_1404 : vector<16x1xi32> to vector<16xi32>
      %gather3A_1406 = tpu.dynamic_gather %add3A_1300[%gather3A_1405] in [0] : vector<16xf32>, vector<16xi32> -> vector<16xf32>
      %select_n3A_1407 = arith.select %eq3A_1306, %add3A_1271, %gather3A_1406 : vector<16xi1>, vector<16xf32>
      %xor3A_1408 = arith.constant 2 : i32
      %xor3A_1409 = vector.broadcast %xor3A_1408 : i32 to vector<16xi32>
      %xor3A_1410 = arith.xori %iota3A, %xor3A_1409 : vector<16xi32>
      %lt3A_1411 = arith.constant 0 : i32
      %lt3A_1412 = vector.broadcast %lt3A_1411 : i32 to vector<16xi32>
      %lt3A_1413 = arith.cmpi slt, %xor3A_1410, %lt3A_1412 : vector<16xi32>
      %add3A_1414 = arith.constant 16 : i32
      %add3A_1415 = vector.broadcast %add3A_1414 : i32 to vector<16xi32>
      %add3A_1416 = arith.addi %xor3A_1410, %add3A_1415 : vector<16xi32>
      %select_n3A_1417 = arith.select %lt3A_1413, %add3A_1416, %xor3A_1410 : vector<16xi1>, vector<16xi32>
      %broadcast_in_dim3A_1418 = vector.shape_cast %select_n3A_1417 : vector<16xi32> to vector<16x1xi32>
      %gather3A_1419 = vector.shape_cast %broadcast_in_dim3A_1418 : vector<16x1xi32> to vector<16xi32>
      %gather3A_1420 = tpu.dynamic_gather %add3A_1271[%gather3A_1419] in [0] : vector<16xf32>, vector<16xi32> -> vector<16xf32>
      %select_n3A_1421 = arith.select %eq3A_1306, %gather3A_1420, %add3A_1300 : vector<16xi1>, vector<16xf32>
      %add3A_1422 = arith.addf %select_n3A_1407, %select_n3A_1421 : vector<16xf32>
      %and3A_1423 = arith.constant 4 : i32
      %and3A_1424 = vector.broadcast %and3A_1423 : i32 to vector<16xi32>
      %and3A_1425 = arith.andi %iota3A, %and3A_1424 : vector<16xi32>
      %eq3A_1426 = arith.constant 0 : i32
      %eq3A_1427 = vector.broadcast %eq3A_1426 : i32 to vector<16xi32>
      %eq3A_1428 = arith.cmpi eq, %and3A_1425, %eq3A_1427 : vector<16xi32>
      %xor3A_1429 = arith.constant 4 : i32
      %xor3A_1430 = vector.broadcast %xor3A_1429 : i32 to vector<16xi32>
      %xor3A_1431 = arith.xori %iota3A, %xor3A_1430 : vector<16xi32>
      %lt3A_1432 = arith.constant 0 : i32
      %lt3A_1433 = vector.broadcast %lt3A_1432 : i32 to vector<16xi32>
      %lt3A_1434 = arith.cmpi slt, %xor3A_1431, %lt3A_1433 : vector<16xi32>
      %add3A_1435 = arith.constant 16 : i32
      %add3A_1436 = vector.broadcast %add3A_1435 : i32 to vector<16xi32>
      %add3A_1437 = arith.addi %xor3A_1431, %add3A_1436 : vector<16xi32>
      %select_n3A_1438 = arith.select %lt3A_1434, %add3A_1437, %xor3A_1431 : vector<16xi1>, vector<16xi32>
      %broadcast_in_dim3A_1439 = vector.shape_cast %select_n3A_1438 : vector<16xi32> to vector<16x1xi32>
      %gather3A_1440 = vector.shape_cast %broadcast_in_dim3A_1439 : vector<16x1xi32> to vector<16xi32>
      %gather3A_1441 = tpu.dynamic_gather %add3A_1364[%gather3A_1440] in [0] : vector<16xf32>, vector<16xi32> -> vector<16xf32>
      %select_n3A_1442 = arith.select %eq3A_1428, %add3A_1335, %gather3A_1441 : vector<16xi1>, vector<16xf32>
      %xor3A_1443 = arith.constant 4 : i32
      %xor3A_1444 = vector.broadcast %xor3A_1443 : i32 to vector<16xi32>
      %xor3A_1445 = arith.xori %iota3A, %xor3A_1444 : vector<16xi32>
      %lt3A_1446 = arith.constant 0 : i32
      %lt3A_1447 = vector.broadcast %lt3A_1446 : i32 to vector<16xi32>
      %lt3A_1448 = arith.cmpi slt, %xor3A_1445, %lt3A_1447 : vector<16xi32>
      %add3A_1449 = arith.constant 16 : i32
      %add3A_1450 = vector.broadcast %add3A_1449 : i32 to vector<16xi32>
      %add3A_1451 = arith.addi %xor3A_1445, %add3A_1450 : vector<16xi32>
      %select_n3A_1452 = arith.select %lt3A_1448, %add3A_1451, %xor3A_1445 : vector<16xi1>, vector<16xi32>
      %broadcast_in_dim3A_1453 = vector.shape_cast %select_n3A_1452 : vector<16xi32> to vector<16x1xi32>
      %gather3A_1454 = vector.shape_cast %broadcast_in_dim3A_1453 : vector<16x1xi32> to vector<16xi32>
      %gather3A_1455 = tpu.dynamic_gather %add3A_1335[%gather3A_1454] in [0] : vector<16xf32>, vector<16xi32> -> vector<16xf32>
      %select_n3A_1456 = arith.select %eq3A_1428, %gather3A_1455, %add3A_1364 : vector<16xi1>, vector<16xf32>
      %add3A_1457 = arith.addf %select_n3A_1442, %select_n3A_1456 : vector<16xf32>
      %xor3A_1458 = arith.constant 4 : i32
      %xor3A_1459 = vector.broadcast %xor3A_1458 : i32 to vector<16xi32>
      %xor3A_1460 = arith.xori %iota3A, %xor3A_1459 : vector<16xi32>
      %lt3A_1461 = arith.constant 0 : i32
      %lt3A_1462 = vector.broadcast %lt3A_1461 : i32 to vector<16xi32>
      %lt3A_1463 = arith.cmpi slt, %xor3A_1460, %lt3A_1462 : vector<16xi32>
      %add3A_1464 = arith.constant 16 : i32
      %add3A_1465 = vector.broadcast %add3A_1464 : i32 to vector<16xi32>
      %add3A_1466 = arith.addi %xor3A_1460, %add3A_1465 : vector<16xi32>
      %select_n3A_1467 = arith.select %lt3A_1463, %add3A_1466, %xor3A_1460 : vector<16xi1>, vector<16xi32>
      %broadcast_in_dim3A_1468 = vector.shape_cast %select_n3A_1467 : vector<16xi32> to vector<16x1xi32>
      %gather3A_1469 = vector.shape_cast %broadcast_in_dim3A_1468 : vector<16x1xi32> to vector<16xi32>
      %gather3A_1470 = tpu.dynamic_gather %add3A_1422[%gather3A_1469] in [0] : vector<16xf32>, vector<16xi32> -> vector<16xf32>
      %select_n3A_1471 = arith.select %eq3A_1428, %add3A_1393, %gather3A_1470 : vector<16xi1>, vector<16xf32>
      %xor3A_1472 = arith.constant 4 : i32
      %xor3A_1473 = vector.broadcast %xor3A_1472 : i32 to vector<16xi32>
      %xor3A_1474 = arith.xori %iota3A, %xor3A_1473 : vector<16xi32>
      %lt3A_1475 = arith.constant 0 : i32
      %lt3A_1476 = vector.broadcast %lt3A_1475 : i32 to vector<16xi32>
      %lt3A_1477 = arith.cmpi slt, %xor3A_1474, %lt3A_1476 : vector<16xi32>
      %add3A_1478 = arith.constant 16 : i32
      %add3A_1479 = vector.broadcast %add3A_1478 : i32 to vector<16xi32>
      %add3A_1480 = arith.addi %xor3A_1474, %add3A_1479 : vector<16xi32>
      %select_n3A_1481 = arith.select %lt3A_1477, %add3A_1480, %xor3A_1474 : vector<16xi1>, vector<16xi32>
      %broadcast_in_dim3A_1482 = vector.shape_cast %select_n3A_1481 : vector<16xi32> to vector<16x1xi32>
      %gather3A_1483 = vector.shape_cast %broadcast_in_dim3A_1482 : vector<16x1xi32> to vector<16xi32>
      %gather3A_1484 = tpu.dynamic_gather %add3A_1393[%gather3A_1483] in [0] : vector<16xf32>, vector<16xi32> -> vector<16xf32>
      %select_n3A_1485 = arith.select %eq3A_1428, %gather3A_1484, %add3A_1422 : vector<16xi1>, vector<16xf32>
      %add3A_1486 = arith.addf %select_n3A_1471, %select_n3A_1485 : vector<16xf32>
      %and3A_1487 = arith.constant 8 : i32
      %and3A_1488 = vector.broadcast %and3A_1487 : i32 to vector<16xi32>
      %and3A_1489 = arith.andi %iota3A, %and3A_1488 : vector<16xi32>
      %eq3A_1490 = arith.constant 0 : i32
      %eq3A_1491 = vector.broadcast %eq3A_1490 : i32 to vector<16xi32>
      %eq3A_1492 = arith.cmpi eq, %and3A_1489, %eq3A_1491 : vector<16xi32>
      %xor3A_1493 = arith.constant 8 : i32
      %xor3A_1494 = vector.broadcast %xor3A_1493 : i32 to vector<16xi32>
      %xor3A_1495 = arith.xori %iota3A, %xor3A_1494 : vector<16xi32>
      %lt3A_1496 = arith.constant 0 : i32
      %lt3A_1497 = vector.broadcast %lt3A_1496 : i32 to vector<16xi32>
      %lt3A_1498 = arith.cmpi slt, %xor3A_1495, %lt3A_1497 : vector<16xi32>
      %add3A_1499 = arith.constant 16 : i32
      %add3A_1500 = vector.broadcast %add3A_1499 : i32 to vector<16xi32>
      %add3A_1501 = arith.addi %xor3A_1495, %add3A_1500 : vector<16xi32>
      %select_n3A_1502 = arith.select %lt3A_1498, %add3A_1501, %xor3A_1495 : vector<16xi1>, vector<16xi32>
      %broadcast_in_dim3A_1503 = vector.shape_cast %select_n3A_1502 : vector<16xi32> to vector<16x1xi32>
      %gather3A_1504 = vector.shape_cast %broadcast_in_dim3A_1503 : vector<16x1xi32> to vector<16xi32>
      %gather3A_1505 = tpu.dynamic_gather %add3A_1486[%gather3A_1504] in [0] : vector<16xf32>, vector<16xi32> -> vector<16xf32>
      %select_n3A_1506 = arith.select %eq3A_1492, %add3A_1457, %gather3A_1505 : vector<16xi1>, vector<16xf32>
      %xor3A_1507 = arith.constant 8 : i32
      %xor3A_1508 = vector.broadcast %xor3A_1507 : i32 to vector<16xi32>
      %xor3A_1509 = arith.xori %iota3A, %xor3A_1508 : vector<16xi32>
      %lt3A_1510 = arith.constant 0 : i32
      %lt3A_1511 = vector.broadcast %lt3A_1510 : i32 to vector<16xi32>
      %lt3A_1512 = arith.cmpi slt, %xor3A_1509, %lt3A_1511 : vector<16xi32>
      %add3A_1513 = arith.constant 16 : i32
      %add3A_1514 = vector.broadcast %add3A_1513 : i32 to vector<16xi32>
      %add3A_1515 = arith.addi %xor3A_1509, %add3A_1514 : vector<16xi32>
      %select_n3A_1516 = arith.select %lt3A_1512, %add3A_1515, %xor3A_1509 : vector<16xi1>, vector<16xi32>
      %broadcast_in_dim3A_1517 = vector.shape_cast %select_n3A_1516 : vector<16xi32> to vector<16x1xi32>
      %gather3A_1518 = vector.shape_cast %broadcast_in_dim3A_1517 : vector<16x1xi32> to vector<16xi32>
      %gather3A_1519 = tpu.dynamic_gather %add3A_1457[%gather3A_1518] in [0] : vector<16xf32>, vector<16xi32> -> vector<16xf32>
      %select_n3A_1520 = arith.select %eq3A_1492, %gather3A_1519, %add3A_1486 : vector<16xi1>, vector<16xf32>
      %add3A_1521 = arith.addf %select_n3A_1506, %select_n3A_1520 : vector<16xf32>
      %swap3A = arith.index_cast %mul3A_190 : i32 to index
      %swap3A_1522 = tpu.vector_load %arg11[%swap3A] {strides = array<i32>} : memref<512xf32, #tpu.memory_space<vmem>>, vector<16xf32>,
      %swap3A_1523 = vector.shape_cast %swap3A_1522 : vector<16xf32> to vector<16xf32>
      %swap3A_1524 = vector.shape_cast %add3A_1521 : vector<16xf32> to vector<16xf32>
      tpu.vector_store %arg11[%swap3A], %swap3A_1524 {strides = array<i32>} : memref<512xf32, #tpu.memory_space<vmem>>, vector<16xf32>,
    }
    %scan3A_187 = arith.constant 32 : i32
    "tpu.region"() ({
      %run_scoped3A_188 = tpu.sem_alloc : memref<!tpu.dma_semaphore, #tpu.memory_space<semaphore_mem>>
      %dma_start3A_189 = tpu.memref_slice %arg6[%mul3A_2] : memref<16384xf32, #tpu.memory_space<hbm>> -> memref<512xf32, #tpu.memory_space<hbm>>
      %dma_start3A_190 = tpu.memref_slice %arg6[%mul3A_2] : memref<16384xf32, #tpu.memory_space<hbm>> -> memref<512xf32, #tpu.memory_space<hbm>>
      tpu.enqueue_dma source(%arg11 : memref<512xf32, #tpu.memory_space<vmem>>) target(%dma_start3A_190 : memref<512xf32, #tpu.memory_space<hbm>>) target_semaphore(%run_scoped3A_188 : memref<!tpu.dma_semaphore, #tpu.memory_space<semaphore_mem>>)
      %dma_wait3A_191 = tpu.memref_slice %arg6[%mul3A_2] : memref<16384xf32, #tpu.memory_space<hbm>> -> memref<512xf32, #tpu.memory_space<hbm>>
      %dma_wait3A_192 = tpu.memref_slice %arg6[%mul3A_2] : memref<16384xf32, #tpu.memory_space<hbm>> -> memref<512xf32, #tpu.memory_space<hbm>>
      tpu.wait_dma2 semaphore(%run_scoped3A_188 : memref<!tpu.dma_semaphore, #tpu.memory_space<semaphore_mem>>) src(%arg11 : memref<512xf32, #tpu.memory_space<vmem>>) dst(%dma_wait3A_192 : memref<512xf32, #tpu.memory_space<hbm>>)
      tpu.yield
    }) : () -> ()
    return
  }
}

</mosaic_0001>

<sc_bundles>
// kernel: kernel.3.cloned.1.call-start
scs
__scs_entry_jumppad:
0x0: {  	(pc) =	sbr.rel $0x88, $3  }
0x1: {  	(tag) =	ssettag $0x0;
	lr =	simm.s32 $0x1  }
0x2: {  	[smem:$0x3F9D] =	sst lr;
	_ =	strace $0xD0000000  }
0x3: {  	_ = 	snop  }
0x4: {  	_ = 	snop  }
0x5: {  	_ = 	snop  }
0x6: {  	_ = 	snop  }
0x7: {  	_ = 	snop  }
__scs_overlays_trampoline_lowered:
0x8: {  	[smem:$0x3FAC] =	sst s0  }
0x9: {  	[smem:$0x3FAD] =	sst s1  }
0xa: {  	[smem:$0x3FAE] =	sst s2  }
0xb: {  	[smem:$0x3FAF] =	sst s3  }
0xc: {  	[smem:$0x3FB0] =	sst s4  }
0xd: {  	[smem:$0x3FB1] =	sst s5  }
0xe: {  	[smem:$0x3FB2] =	sst s6  }
0xf: {  	[smem:$0x3FB3] =	sst s7  }
0x10: {  	[smem:$0x3FB4] =	sst s8  }
0x11: {  	[smem:$0x3FB5] =	sst s9;
	s0 =	simm.s32 @!p0 $0x0  }
0x12: {  	s1 =	sld [smem:$0x3F9B];
	s0 =	simm.s32 @p0 $0x1  }
0x13: {  	[smem:$0x3FB6] =	sst s0;
	s0 =	simm.s32 @!p1 $0x0  }
0x14: {  	s2 =	sld [smem:$0x3F9A];
	s0 =	simm.s32 @p1 $0x1  }
0x15: {  	[smem:$0x3FB7] =	sst s0;
	s0 =	simm.s32 @!p2 $0x0  }
0x16: {  	s3 =	sld [smem:$0x3FDB];
	s0 =	simm.s32 @p2 $0x1  }
0x17: {  	s4 =	simm.s32 $0x1BF5;
	[smem:$0x3FB9] =	sst s0  }
0x18: {  	s0 =	sld [smem:$0x3F9C];
	_ =	swait.ge [sflag:s4], $0x0  }
0x19: {  	s7 =	sld [smem:$0x3F9D]  }
0x1a: {  	s8 =	sadd.s32 $0xFFFFE003, lr  }
0x1b: {  	s9 =	sadd.s32 $0xFFFFFEF7, lr;
	s5 =	simm.s32 $0xFFFFFFFF;
	p2 =	slt.u32 s8, $0xFFFFF086  }
0x1c: {  	p1 =	slt.u32 s9, $0xF7A;
	s5 =	simm.s32 @!p2 $0x0  }
0x1d: {  	s5 =	simm.s32 @p1 $0x1;
	p0 =	seq.s32 s7, s2  }
0x1e: {  	s7 =	smul.u32 @!p0 $0xF7A, s2;
	p2 =	seq.s32 @!p0 s5, $0x0  }
0x1f: {  	s9 =	smul.u32 $0xF7A, s1;
	s8 =	simm.s32 @!p0 $0x1BF5;
	p2 =	por !p2, p0  }
0x20: {  	[sflag:s8] =	ssyncset.s32 @!p0 $0xFFFFF086;
	s6 =	sadd.s32 @!p0 s3, s7;
	s7 =	simm.s32 @!p0 $0x108  }
0x21: {  	s3 =	sadd.s32 s3, s9;
	s6 =	sadd.s32 @!p0 $0x88, s6;
	s7 =	simm.s32 @p2 $0x1082  }
0x22: {  	[simem:s7], [sflag:s8] =	dma.local @!p0 [hbm:s6], $0xF7A  }
0x23: {  	s9 =	sor.u32 $0xD0000000, s2;
	s6 =	simm.s32 $0x108;
	_ =	swait.ge @!p0 [sflag:s8], $0x0  }
0x24: {  	s3 =	sadd.s32 $0x88, s3;
	s6 =	simm.s32 @!p1 $0x1082;
	[sflag:s4] =	ssyncset.s32 $0xFFFFF086  }
0x25: {  	[simem:s6], [sflag:s4] =	dma.local [hbm:s3], $0xF7A  }
0x26: {  	[smem:$0x3F9D] =	sst s1;
	(tag) =	ssettag s2;
	_ =	strace s9  }
0x27: {  	s1 =	sld [smem:$0x3FAD]  }
0x28: {  	s2 =	sld [smem:$0x3FAE]  }
0x29: {  	s4 =	sld [smem:$0x3FB0]  }
0x2a: {  	p0 =	seq.s32 s5, $0x0;
	s5 =	sld [smem:$0x3FB1]  }
0x2b: {  	s6 =	sld [smem:$0x3FB2]  }
0x2c: {  	s7 =	sld [smem:$0x3FB3]  }
0x2d: {  	s3 =	simm.s32 $0x108;
	s8 =	sld [smem:$0x3FB4]  }
0x2e: {  	s3 =	simm.s32 @!p0 $0x1082;
	s9 =	sld [smem:$0x3FB5]  }
0x2f: {  	lr =	sadd.s32 s0, s3;
	s0 =	sld [smem:$0x3FAC]  }
0x30: {  	s3 =	sld [smem:$0x3FAF]  }
0x31: {  	[smem:$0x3FB8] =	sst s10  }
0x32: {  	s10 =	sld [smem:$0x3FB6];
	_ =	sdelay $0x3  }
0x33: {  	p0 =	seq.s32 s10, $0x1;
	s10 =	sld [smem:$0x3FB8];
	_ =	sdelay $0x3  }
0x34: {  	[smem:$0x3FB8] =	sst s10  }
0x35: {  	s10 =	sld [smem:$0x3FB7];
	_ =	sdelay $0x3  }
0x36: {  	p1 =	seq.s32 s10, $0x1;
	s10 =	sld [smem:$0x3FB8];
	_ =	sdelay $0x3  }
0x37: {  	[smem:$0x3FB8] =	sst s10  }
0x38: {  	s10 =	sld [smem:$0x3FB9]  }
0x39: {  	_ = 	snop;
	(pc) =	sbr.ind lr, $3  }
0x3a: {  	_ = 	snop  }
0x3b: {  	_ = 	snop  }
0x3c: {  	p2 =	seq.s32 s10, $0x1;
	s10 =	sld [smem:$0x3FB8]  }
0x3d: {  	_ =	shalt  }
0x3e: {  	_ =	shalt  }
0x3f: {  	_ =	shalt  }
0x40: {  	_ =	shalt  }
0x41: {  	_ =	shalt  }
0x42: {  	_ =	shalt  }
0x43: {  	_ =	shalt  }
0x44: {  	_ =	shalt  }
0x45: {  	_ =	shalt  }
0x46: {  	_ =	shalt  }
0x47: {  	_ =	shalt  }
0x48: {  	_ =	shalt  }
0x49: {  	_ =	shalt  }
0x4a: {  	_ =	shalt  }
0x4b: {  	_ =	shalt  }
0x4c: {  	_ =	shalt  }
0x4d: {  	_ =	shalt  }
0x4e: {  	_ =	shalt  }
0x4f: {  	_ =	shalt  }
0x50: {  	_ =	shalt  }
0x51: {  	_ =	shalt  }
0x52: {  	_ =	shalt  }
0x53: {  	_ =	shalt  }
0x54: {  	_ =	shalt  }
0x55: {  	_ =	shalt  }
0x56: {  	_ =	shalt  }
0x57: {  	_ =	shalt  }
0x58: {  	_ =	shalt  }
0x59: {  	_ =	shalt  }
0x5a: {  	_ =	shalt  }
0x5b: {  	_ =	shalt  }
0x5c: {  	_ =	shalt  }
0x5d: {  	_ =	shalt  }
0x5e: {  	_ =	shalt  }
0x5f: {  	_ =	shalt  }
0x60: {  	_ =	shalt  }
0x61: {  	_ =	shalt  }
0x62: {  	_ =	shalt  }
0x63: {  	_ =	shalt  }
0x64: {  	_ =	shalt  }
0x65: {  	_ =	shalt  }
0x66: {  	_ =	shalt  }
0x67: {  	_ =	shalt  }
0x68: {  	_ =	shalt  }
0x69: {  	_ =	shalt  }
0x6a: {  	_ =	shalt  }
0x6b: {  	_ =	shalt  }
0x6c: {  	_ =	shalt  }
0x6d: {  	_ =	shalt  }
0x6e: {  	_ =	shalt  }
0x6f: {  	_ =	shalt  }
0x70: {  	_ =	shalt  }
0x71: {  	_ =	shalt  }
0x72: {  	_ =	shalt  }
0x73: {  	_ =	shalt  }
0x74: {  	_ =	shalt  }
0x75: {  	_ =	shalt  }
0x76: {  	_ =	shalt  }
0x77: {  	_ =	shalt  }
0x78: {  	_ =	shalt  }
0x79: {  	_ =	shalt  }
0x7a: {  	_ =	shalt  }
0x7b: {  	_ =	shalt  }
0x7c: {  	_ =	shalt  }
0x7d: {  	_ =	shalt  }
0x7e: {  	_ =	shalt  }
0x7f: {  	_ =	shalt  }
0x80: {  	_ =	shalt  }
0x81: {  	_ =	shalt  }
0x82: {  	_ =	shalt  }
0x83: {  	_ =	shalt  }
0x84: {  	_ =	shalt  }
0x85: {  	_ =	shalt  }
0x86: {  	_ =	shalt  }
0x87: {  	_ =	shalt  }
.Lfunc_end0:
.L_simem_size_0:
called_computation_lowered:
.L_overlay_start_0:
0x88: {  	s2 =	sld [smem:$0x3FD9]  }
0x89: {  	s3 =	sld [smem:$0x3FFE];
	_ =	sdelay $0x1  }
0x8a: {  	s1 =	srdreg.scid  }
0x8b: {  	s0 =	sand.u32 $0x1, s1  }
0x8c: {  	s17 =	sshll.u32 s0, $0xA;
	s2 =	sadd.s32 s3, s2  }
0x8d: {  	s2 =	sadd.s32 s2, s17  }
0x8e: {  	[smem:$0x3FC4] =	sst s2  }
0x8f: {  	_ = 	snop  }
0x90: {  	s2 =	sld [smem:$0x3FC9]  }
0x91: {  	s18 =	sld [smem:$0x3FC8]  }
0x92: {  	s4 =	sld [smem:$0x3FD0];
	(tm) =	ssettm $0x1  }
0x93: {  	s5 =	sld [smem:$0x3FFB];
	_ =	sdelay $0x3  }
0x94: {  	_ =	strace s5  }
0x95: {  	s5 =	sld [smem:$0x3FFC];
	_ =	sdelay $0x3  }
0x96: {  	_ =	strace s5  }
0x97: {  	s5 =	sld [smem:$0x3FFD];
	_ =	sdelay $0x3  }
0x98: {  	_ =	strace s5  }
0x99: {  	_ =	strace $0x8FFFFFFF  }
0x9a: {  	s19 =	sld [smem:$0x3FDB];
	_ =	sdelay $0x1  }
0x9b: {  	s6 =	simm.s32 $_scs_section_size  }
0x9c: {  	s7 =	simm.s32 $_size__tile_overlayer_lowered;
	s8 =	simm.s32 $_tile_overlayer_lowered  }
0x9d: {  	s22 =	simm.s32 $0x1BFF;
	s21 =	sshll.u32 s8, $0x1;
	s5 =	sadd.s32 s6, s19  }
0x9e: {  	s9 =	simm.s32 $0x0;
	s20 =	sshll.u32 s7, $0x1;
	s7 =	sadd.s32 s21, s5  }
0x9f: {  	[timem:s9], [sflag:s22] =	dma.local [hbm:s7], s20  }
0xa0: {  	_ =	swait.ge [sflag:s22], s20  }
0xa1: {  	s6 =	ssub.s32 $0x0, s20;
	[sflag:s22] =	ssyncset.done $0x0  }
0xa2: {  	[sflag:s22] =	ssyncadd.s32 s6;
	_ =	sdelay $0x1  }
0xa3: {  	s23 =	simm.s32 $0x1B8B  }
0xa4: {  	_ =	swait.ge [sflag:s23], $0x1  }
0xa5: {  	[sflag:s23] =	ssyncset.done $0x0  }
0xa6: {  	s25 =	simm.s32 $0x1B8E;
	s24 =	sld [smem:$0x3FFE];
	[sflag:s23] =	ssyncadd.s32 $0xFFFFFFFF  }
0xa7: {  	s26 =	simm.s32 $execute0_lowered;
	[smem:$0x3FD2] =	sst s25  }
0xa8: {  	s7 =	sshll.u32 s26, $0x1;
	_ =	strace $0x80000046;
	[dreg:$0x1] =	wrdreg $0xFFFFFFFF  }
0xa9: {  	s28 =	simm.s32 $_size_execute0_lowered;
	s5 =	sadd.s32 s5, s7;
	[dreg:$0x0] =	wrdreg $0x0  }
0xaa: {  	s7 =	sshll.u32 s28, $0x1;
	[dreg:$0x2] =	wrdreg s5  }
0xab: {  	[dreg:$0x3] =	wrdreg s7  }
0xac: {  	[dreg:$0x4] =	wrdreg $0xC0  }
0xad: {  	_ =	task [dreg:s9], $0x5FFFF  }
0xae: {  	[dreg:$0x1] =	wrdreg $0xFFFFFFFF  }
0xaf: {  	[dreg:$0x0] =	wrdreg $0x60  }
0xb0: {  	[dreg:$0x2] =	wrdreg s2  }
0xb1: {  	[dreg:$0x3] =	wrdreg s18  }
0xb2: {  	[dreg:$0x4] =	wrdreg s24  }
0xb3: {  	[dreg:$0x5] =	wrdreg s4  }
0xb4: {  	[dreg:$0x6] =	wrdreg $0x9  }
0xb5: {  	_ =	task.clear_ibuf [dreg:s9], $0x7FFFF;
	_ =	strace $0x90000046  }
0xb6: {  	s29 =	simm.s32 $0x9;
	_ =	strace $0x80000048  }
0xb7: {  	_ =	swait.ge [sflag:s29], $0x1  }
0xb8: {  	[sflag:s29] =	ssyncadd.s32 $0xFFFFFFFF  }
0xb9: {  	_ =	strace $0x90000048  }
0xba: {  	_ =	sfence  }
0xbb: {  	s30 =	sld [smem:$0x0];
	_ =	sdelay $0x2  }
0xbc: {  	s31 =	sshll.u32 s1, $0xD;
	s1 =	sshrl.u32 s1, $0x2  }
0xbd: {  	s3 =	sand.u32 $0x4000, s31;
	s1 =	sadd.s32 s1, s30  }
0xbe: {  	s0 =	sor.u32 s3, s0;
	s1 =	sshll.u32 s1, $0x11  }
0xbf: {  	s0 =	sor.u32 s1, s0  }
0xc0: {  	s0 =	sadd.s32 $0x8F2B, s0  }
0xc1: {  	[sflag:s0] =	ssyncadd.remote.s32 $0x1  }
0xc2: {  	_ =	sfence.sel $0xFFFF  }
0xc3: {  	[dreg:$0x0] =	wrdreg $0xFFFFFFFF;
	(pc) =	sbr.abs _section_cstart, $3  }
0xc4: {  	[dreg:$0x1] =	wrdreg $0xFFFFFFFF  }
0xc5: {  	_ =	task.clear_ibuf [dreg:s9], $0x2FFFF;
	_ =	strace $0x9FFFFFFF  }
0xc6: {  	(tm) =	ssettm $0x7FFFFFFF  }
0xc7: {  	_ =	shalt  }
tec
execute0_lowered:
.L_overlay_start_1:
0x0: {  	(tag) =	ssettag $0x1  }
0x1: {  	v0 =	vimm.s32 $0xEFCDAB89  }
0x2: {  	vm0 =	vcmask $0xB08;
	vm1 =	vcmask $0x300;
	v1 =	vimm.s32 $0x67452301  }
0x3: {  	s0 =	rddreg [dreg:$0x0];
	v2 =	vimm.s32 $0xDCFE98BA;
	v3 =	vimm.s32 $0x54761032;
	vm2 =	vcmask $0x700  }
0x4: {  	s2 =	rddreg [dreg:$0x1];
	v0 =	vunpack.c.l.s4.s8 v0;
	vm0 =	vmor vm1, vm0;
	vm1 =	vcmask $0x1310  }
0x5: {  	s4 =	rddreg [dreg:$0x2];
	v1 =	vunpack.c.l.s4.s8 v1;
	v2 =	vunpack.c.l.s4.s8 v2;
	v3 =	vunpack.c.l.s4.s8 v3  }
0x6: {  	s13 =	rddreg [dreg:$0x3];
	vm0 =	vmor vm0, vm1;
	vm1 =	vcmask $0x1B18;
	v0 =	vunpack.c.0.s8.s32 v0  }
0x7: {  	s1 =	simm.s32 $0x0;
	s3 =	srdreg.scid;
	s8 =	stileid.u32;
	vm0 =	vmor vm0, vm1;
	vm1 =	vcmask $0x2320;
	v1 =	vunpack.c.0.s8.s32 v1  }
0x8: {  	s16 =	simm.s32 $0x200;
	v4 =	vimm.s32 $0xFEDCBA98;
	s17 =	simm.s32 $0x80;
	s18 =	simm.s32 $0x280;
	vm0 =	vmor vm0, vm1;
	vm1 =	vcmask $0x2B28  }
0x9: {  	s19 =	simm.s32 $0x100;
	s20 =	simm.s32 $0x300;
	s21 =	simm.s32 $0x180;
	v0 =	vcombine.low v1, v0;
	v1 =	vunpack.c.0.s8.s32 v2;
	v2 =	vunpack.c.0.s8.s32 v3  }
0xa: {  	v5 =	vimm.s32 $0x76543210;
	s22 =	simm.s32 $0x380;
	s29 =	simm.s32 $0xC400;
	s30 =	simm.s32 $0x6400;
	v4 =	vunpack.c.l.s4.s8 v4;
	vm0 =	vmor vm0, vm1  }
0xb: {  	s31 =	simm.s32 $0xE400;
	s23 =	simm.s32 $0x10400;
	s24 =	simm.s32 $0x0;
	v3 =	vimm.s32 $0x32107654;
	v1 =	vcombine.low v2, v1;
	v2 =	vimm.s32 $0xBA98FEDC  }
0xc: {  	[smem:$0x7FF] =	sst s1;
	s5 =	sand.u32 $0x1, s3;
	s3 =	sadd.s32 $0xF42800, s4;
	vm1 =	vcmask $0x3330;
	v3 =	vunpack.c.l.s4.s8 v3;
	v2 =	vunpack.c.l.s4.s8 v2  }
0xd: {  	s8 =	sshll.u32 s8, $0x7;
	v5 =	vunpack.c.l.s4.s8 v5;
	s6 =	ssub.s32 $0x2, s5;
	s5 =	sshll.u32 s5, $0x6;
	v4 =	vunpack.c.0.s8.s32 v4;
	vm0 =	vmor vm0, vm1  }
0xe: {  	s4 =	sadd.s32 $0x16E3A00, s4;
	s7 =	sshrl.u32 s6, $0x1;
	s15 =	sor.u32 s5, s8;
	vm1 =	vcmask $0x1710;
	v3 =	vunpack.c.0.s8.s32 v3;
	v2 =	vunpack.c.0.s8.s32 v2  }
0xf: {  	vm3 =	vcmask $0x3B38;
	_ =	strace $0x80000047;
	s14 =	ssub.s32 s6, s7;
	s5 =	sadd.s32 s0, s15;
	v4 =	vand.u32 $0xF, v4;
	vm1 =	vmor vm2, vm1  }
0x10: {  	s6 =	sadd.s32 s2, s15;
	s8 =	sor.u32 $0x10, s15;
	s10 =	sor.u32 $0x20, s15;
	vm2 =	vcmask $0x2720;
	v2 =	vcombine.low v3, v2;
	v3 =	vunpack.c.0.s8.s32 v5  }
0x11: {  	s12 =	sor.u32 $0x30, s15;
	s13 =	sadd.s32 s13, s15;
	s15 =	simm.s32 $0x3;
	vm0 =	vmor vm0, vm3;
	vm3 =	vcmask $0xF00;
	vm1 =	vmor vm1, vm2  }
0x12: {  	s7 =	sadd.s32 s0, s8;
	s8 =	sadd.s32 s2, s8;
	s9 =	sadd.s32 s0, s10;
	vm2 =	vcmask $0x3730;
	v10 =	vand.u32 $0xF, v2;
	v6 =	vcombine.low v4, v3  }
0x13: {  	s10 =	sadd.s32 s2, s10;
	s11 =	sadd.s32 s0, s12;
	s12 =	sadd.s32 s2, s12;
	v0 =	vand.u32 $0xF, v0;
	vm1 =	vmor vm1, vm2;
	vm2 =	vcmask $0x2F20;
	[tilespmem:$0x1FFE0] =	vst v10  }
0x14: {  	s14 =	smax.u32 s14, $0x1;
	s0 =	simm.s32 $0x1;
	s2 =	simm.s32 $0x2;
	v1 =	vand.u32 $0xF, v1;
	vm2 =	vmor vm3, vm2;
	vm3 =	vmmov $0xff;
	[tilespmem:$0x1FFF0] =	vst v6  }
.LBB2_1:
0x15: {  	[tilespmem:s1], [sflag:$0x3] =	stream.linear.gather [hbm4b:s5+s1], $0x80, $0x38;
	[tilespmem:$0x10600] =	vst v63  }
0x16: {  	_ =	swait.ge [sflag:s15], $0x80  }
0x17: {  	[sflag:s15] =	ssyncset.done $0x0  }
0x18: {  	[sflag:s15] =	ssyncadd.s32 $0xFFFFFF80  }
0x19: {  	[tilespmem:s16], [sflag:$0x3] =	stream.linear.gather [hbm4b:s6+s1], $0x80, $0x38;
	[tilespmem:$0x10600] =	vst v63  }
0x1a: {  	_ =	swait.ge [sflag:s15], $0x80  }
0x1b: {  	[sflag:s15] =	ssyncset.done $0x0  }
0x1c: {  	[sflag:s15] =	ssyncadd.s32 $0xFFFFFF80  }
0x1d: {  	[tilespmem:s17], [sflag:$0x3] =	stream.linear.gather [hbm4b:s7+s1], $0x80, $0x38;
	[tilespmem:$0x10600] =	vst v63  }
0x1e: {  	_ =	swait.ge [sflag:s15], $0x80  }
0x1f: {  	[sflag:s15] =	ssyncset.done $0x0  }
0x20: {  	[sflag:s15] =	ssyncadd.s32 $0xFFFFFF80  }
0x21: {  	[tilespmem:s18], [sflag:$0x3] =	stream.linear.gather [hbm4b:s8+s1], $0x80, $0x38;
	[tilespmem:$0x10600] =	vst v63  }
0x22: {  	_ =	swait.ge [sflag:s15], $0x80  }
0x23: {  	[sflag:s15] =	ssyncset.done $0x0  }
0x24: {  	[sflag:s15] =	ssyncadd.s32 $0xFFFFFF80  }
0x25: {  	[tilespmem:s19], [sflag:$0x3] =	stream.linear.gather [hbm4b:s9+s1], $0x80, $0x38;
	[tilespmem:$0x10600] =	vst v63  }
0x26: {  	_ =	swait.ge [sflag:s15], $0x80  }
0x27: {  	[sflag:s15] =	ssyncset.done $0x0  }
0x28: {  	[sflag:s15] =	ssyncadd.s32 $0xFFFFFF80  }
0x29: {  	[tilespmem:s20], [sflag:$0x3] =	stream.linear.gather [hbm4b:s10+s1], $0x80, $0x38;
	[tilespmem:$0x10600] =	vst v63  }
0x2a: {  	_ =	swait.ge [sflag:s15], $0x80  }
0x2b: {  	[sflag:s15] =	ssyncset.done $0x0  }
0x2c: {  	[sflag:s15] =	ssyncadd.s32 $0xFFFFFF80  }
0x2d: {  	[tilespmem:s21], [sflag:$0x3] =	stream.linear.gather [hbm4b:s11+s1], $0x80, $0x38;
	[tilespmem:$0x10600] =	vst v63  }
0x2e: {  	_ =	swait.ge [sflag:s15], $0x80  }
0x2f: {  	[sflag:s15] =	ssyncset.done $0x0  }
0x30: {  	[sflag:s15] =	ssyncadd.s32 $0xFFFFFF80  }
0x31: {  	[tilespmem:s22], [sflag:$0x3] =	stream.linear.gather [hbm4b:s12+s1], $0x80, $0x38;
	[tilespmem:$0x10600] =	vst v63  }
0x32: {  	_ =	swait.ge [sflag:s15], $0x80  }
0x33: {  	[sflag:s15] =	ssyncset.done $0x0  }
0x34: {  	s25 =	simm.s32 $0x400;
	[sflag:s15] =	ssyncadd.s32 $0xFFFFFF80  }
0x35: {  	[tilespmem:s25], [sflag:$0x1] =	stream.indirect.gather [hbm4b:s3+s17], $0x40, s1, s17, $0xb8;
	[tilespmem:$0x10600] =	vst v63  }
0x36: {  	s26 =	simm.s32 $0x8400  }
0x37: {  	[tilespmem:s26], [sflag:$0x2] =	stream.indirect.gather [hbm4b:s4+s17], $0x40, s16, s17, $0xb8;
	[tilespmem:$0x10600] =	vst v63  }
0x38: {  	s28 =	simm.s32 $0x2400  }
0x39: {  	[tilespmem:s28], [sflag:$0x1] =	stream.indirect.gather [hbm4b:s3+s17], $0x40, s17, s17, $0xb8;
	[tilespmem:$0x10600] =	vst v63  }
0x3a: {  	s26 =	simm.s32 $0xA400  }
0x3b: {  	[tilespmem:s26], [sflag:$0x2] =	stream.indirect.gather [hbm4b:s4+s17], $0x40, s18, s17, $0xb8;
	[tilespmem:$0x10600] =	vst v63  }
0x3c: {  	s28 =	simm.s32 $0x4400  }
0x3d: {  	[tilespmem:s28], [sflag:$0x1] =	stream.indirect.gather [hbm4b:s3+s17], $0x40, s19, s17, $0xb8;
	[tilespmem:$0x10600] =	vst v63  }
0x3e: {  	_ = 	snop  }
0x3f: {  	[tilespmem:s29], [sflag:$0x2] =	stream.indirect.gather [hbm4b:s4+s17], $0x40, s20, s17, $0xb8;
	[tilespmem:$0x10600] =	vst v63  }
0x40: {  	_ = 	snop  }
0x41: {  	[tilespmem:s30], [sflag:$0x1] =	stream.indirect.gather [hbm4b:s3+s17], $0x40, s21, s17, $0xb8;
	[tilespmem:$0x10600] =	vst v63  }
0x42: {  	_ = 	snop  }
0x43: {  	[tilespmem:s31], [sflag:$0x2] =	stream.indirect.gather [hbm4b:s4+s17], $0x40, s22, s17, $0xb8;
	[tilespmem:$0x10600] =	vst v63  }
0x44: {  	_ =	swait.ge [sflag:s0], $0x2000  }
0x45: {  	[sflag:s0] =	ssyncset.done $0x0  }
0x46: {  	[sflag:s0] =	ssyncadd.s32 $0xFFFFE000  }
0x47: {  	_ =	swait.ge [sflag:s2], $0x2000  }
0x48: {  	[sflag:s2] =	ssyncset.done $0x0  }
0x49: {  	[sflag:s2] =	ssyncadd.s32 $0xFFFFE000  }
0x4a: {  	_ =	swait.ge [sflag:s0], $0x2000  }
0x4b: {  	[sflag:s0] =	ssyncset.done $0x0  }
0x4c: {  	[sflag:s0] =	ssyncadd.s32 $0xFFFFE000  }
0x4d: {  	_ =	swait.ge [sflag:s2], $0x2000  }
0x4e: {  	[sflag:s2] =	ssyncset.done $0x0  }
0x4f: {  	[sflag:s2] =	ssyncadd.s32 $0xFFFFE000  }
0x50: {  	_ =	swait.ge [sflag:s0], $0x2000  }
0x51: {  	[sflag:s0] =	ssyncset.done $0x0  }
0x52: {  	[sflag:s0] =	ssyncadd.s32 $0xFFFFE000  }
0x53: {  	_ =	swait.ge [sflag:s2], $0x2000  }
0x54: {  	[sflag:s2] =	ssyncset.done $0x0  }
0x55: {  	[sflag:s2] =	ssyncadd.s32 $0xFFFFE000  }
0x56: {  	_ =	swait.ge [sflag:s0], $0x2000  }
0x57: {  	[sflag:s0] =	ssyncset.done $0x0  }
0x58: {  	[sflag:s0] =	ssyncadd.s32 $0xFFFFE000  }
0x59: {  	_ =	swait.ge [sflag:s2], $0x2000  }
0x5a: {  	[sflag:s2] =	ssyncset.done $0x0  }
0x5b: {  	s25 =	simm.s32 $0x10400;
	s26 =	simm.s32 $0x0;
	[sflag:s2] =	ssyncadd.s32 $0xFFFFE000  }
.LBB2_2:
0x5c: {  	s28 =	sshra.s32 s26, $0x2  }
0x5d: {  	v4 =	vld [tilespmem:s28+$0x400]  }
0x5e: {  	v5 =	vld [tilespmem:s28+$0x8400]  }
0x5f: {  	v6 =	vld [tilespmem:s28+$0x410]  }
0x60: {  	v7 =	vld [tilespmem:s28+$0x8410]  }
0x61: {  	v8 =	vld [tilespmem:s28+$0x420]  }
0x62: {  	v9 =	vld [tilespmem:s28+$0x8420]  }
0x63: {  	v10 =	vld [tilespmem:s28+$0x430]  }
0x64: {  	v11 =	vld [tilespmem:s28+$0x8430]  }
0x65: {  	v12 =	vld [tilespmem:s28+$0x440]  }
0x66: {  	v13 =	vld [tilespmem:s28+$0x8440]  }
0x67: {  	v14 =	vld [tilespmem:s28+$0x450]  }
0x68: {  	v15 =	vld [tilespmem:s28+$0x8450]  }
0x69: {  	v16 =	vld [tilespmem:s28+$0x460]  }
0x6a: {  	v17 =	vld [tilespmem:s28+$0x8460]  }
0x6b: {  	v18 =	vld [tilespmem:s28+$0x470]  }
0x6c: {  	v19 =	vld [tilespmem:s28+$0x8470]  }
0x6d: {  	v20 =	vld [tilespmem:s28+$0x480]  }
0x6e: {  	v21 =	vld [tilespmem:s28+$0x8480]  }
0x6f: {  	v22 =	vld [tilespmem:s28+$0x490]  }
0x70: {  	v23 =	vld [tilespmem:s28+$0x8490]  }
0x71: {  	v24 =	vld [tilespmem:s28+$0x4A0]  }
0x72: {  	v25 =	vld [tilespmem:s28+$0x84A0]  }
0x73: {  	v2 =	vld [tilespmem:s28+$0x4B0]  }
0x74: {  	v28 =	vld [tilespmem:s28+$0x4C0]  }
0x75: {  	v29 =	vld [tilespmem:s28+$0x84C0]  }
0x76: {  	v30 =	vld [tilespmem:s28+$0x4D0]  }
0x77: {  	v31 =	vld [tilespmem:s28+$0x84D0]  }
0x78: {  	v56 =	vld [tilespmem:s28+$0x4E0]  }
0x79: {  	v48 =	vld [tilespmem:s28+$0x84E0]  }
0x7a: {  	v50 =	vld [tilespmem:s28+$0x4F0]  }
0x7b: {  	v35 =	vld [tilespmem:s28+$0x84F0]  }
0x7c: {  	v36 =	vld [tilespmem:s28+$0x500]  }
0x7d: {  	v37 =	vld [tilespmem:s28+$0x8500]  }
0x7e: {  	v38 =	vld [tilespmem:s28+$0x510]  }
0x7f: {  	v39 =	vld [tilespmem:s28+$0x8510]  }
0x80: {  	v40 =	vld [tilespmem:s28+$0x520]  }
0x81: {  	v41 =	vld [tilespmem:s28+$0x8520]  }
0x82: {  	v44 =	vld [tilespmem:s28+$0x540]  }
0x83: {  	v45 =	vld [tilespmem:s28+$0x8540]  }
0x84: {  	v46 =	vld [tilespmem:s28+$0x550]  }
0x85: {  	v47 =	vld [tilespmem:s28+$0x8550]  }
0x86: {  	v57 =	vld [tilespmem:s28+$0x560]  }
0x87: {  	v49 =	vld [tilespmem:s28+$0x8560]  }
0x88: {  	v52 =	vld [tilespmem:s28+$0x580]  }
0x89: {  	v53 =	vld [tilespmem:s28+$0x8580]  }
0x8a: {  	v54 =	vld [tilespmem:s28+$0x590]  }
0x8b: {  	v55 =	vld [tilespmem:s28+$0x8590]  }
0x8c: {  	v60 =	vld [tilespmem:s28+$0x5C0]  }
0x8d: {  	v61 =	vld [tilespmem:s28+$0x85C0]  }
0x8e: {  	v62 =	vld [tilespmem:s28+$0x5D0]  }
0x8f: {  	v63 =	vld [tilespmem:s28+$0x85D0]  }
0x90: {  	v51 =	vld [tilespmem:s28+$0x5E0]  }
0x91: {  	v43 =	vld [tilespmem:s28+$0x85E0]  }
0x92: {  	v42 =	vld [tilespmem:s28+$0x600]  }
0x93: {  	v26 =	vld [tilespmem:s28+$0x8600]  }
0x94: {  	v33 =	vld [tilespmem:s28+$0x610]  }
0x95: {  	v3 =	vld [tilespmem:s28+$0x620]  }
0x96: {  	v59 =	vld [tilespmem:s28+$0x8650]  }
0x97: {  	v34 =	vld [tilespmem:s28+$0x680]  }
0x98: {  	v58 =	vld [tilespmem:s28+$0x6A0]  }
0x99: {  	v27 =	vld [tilespmem:s28+$0x8680]  }
0x9a: {  	v32 =	vld [tilespmem:s28+$0x690]  }
0x9b: {  	[tilespmem:$0x1FDC0] =	vst v2;
	v2 =	vld [tilespmem:s28+$0x84B0];
	v21 =	vmul.f32 v21, v20  }
0x9c: {  	[tilespmem:$0x1FE80] =	vst v3;
	v3 =	vld [tilespmem:s28+$0x8620];
	v22 =	vmul.f32 v23, v22;
	v23 =	vmul.f32 v19, v18  }
0x9d: {  	[tilespmem:$0x1FF30] =	vst v58;
	v58 =	vld [tilespmem:s28+$0x86A0];
	v25 =	vmul.f32 v25, v24;
	v28 =	vmul.f32 v29, v28  }
0x9e: {  	v29 =	vmul.f32 v31, v30;
	v30 =	vmul.f32 v37, v36;
	v19 =	vld [tilespmem:s28+$0x8730]  }
0x9f: {  	v31 =	vmul.f32 v39, v38;
	v39 =	vmul.f32 v35, v50;
	v24 =	vld [tilespmem:s28+$0x760]  }
0xa0: {  	v50 =	vmul.f32 v49, v57;
	v49 =	vmul.f32 v27, v34;
	v27 =	vld [tilespmem:s28+$0x87A0]  }
0xa1: {  	v38 =	vmul.f32 v48, v56;
	v45 =	vmul.f32 v45, v44;
	v36 =	vld [tilespmem:$0x1FDC0]  }
0xa2: {  	v56 =	vmul.f32 v61, v60;
	v57 =	vmul.f32 v63, v62;
	v44 =	vld [tilespmem:$0x1FE80]  }
0xa3: {  	v4 =	vmul.f32 v5, v4;
	v5 =	vadd.f32 v22, v21;
	v21 =	vld [tilespmem:s28+$0x740]  }
0xa4: {  	v22 =	vadd.f32 v57, v56;
	v56 =	vld [tilespmem:$0x1FF30]  }
0xa5: {  	v5 =	vadd.f32 v25, v5;
	v25 =	vld [tilespmem:s28+$0x750]  }
0xa6: {  	[tilespmem:$0x1FDD0] =	vst v2;
	v2 =	vld [tilespmem:s28+$0x530]  }
0xa7: {  	[tilespmem:$0x1FE90] =	vst v3;
	v3 =	vld [tilespmem:s28+$0x630]  }
0xa8: {  	v46 =	vmul.f32 v47, v46;
	[tilespmem:$0x1FF40] =	vst v58;
	v58 =	vld [tilespmem:s28+$0x6B0]  }
0xa9: {  	v37 =	vld [tilespmem:$0x1FDD0]  }
0xaa: {  	v17 =	vmul.f32 v17, v16;
	v16 =	vadd.f32 v46, v45;
	v45 =	vld [tilespmem:$0x1FE90]  }
0xab: {  	[tilespmem:$0x1FDE0] =	vst v2;
	v2 =	vld [tilespmem:s28+$0x8530]  }
0xac: {  	[tilespmem:$0x1FED0] =	vst v3;
	v3 =	vld [tilespmem:s28+$0x8630]  }
0xad: {  	[tilespmem:$0x1FF90] =	vst v58;
	v58 =	vld [tilespmem:s28+$0x86B0]  }
0xae: {  	v57 =	vld [tilespmem:$0x1FF40]  }
0xaf: {  	v47 =	vld [tilespmem:$0x1FDE0]  }
0xb0: {  	[tilespmem:$0x1FDF0] =	vst v2;
	v2 =	vld [tilespmem:s28+$0x570]  }
0xb1: {  	[tilespmem:$0x1FEE0] =	vst v3;
	v3 =	vld [tilespmem:s28+$0x640]  }
0xb2: {  	[tilespmem:$0x1FFA0] =	vst v58;
	v58 =	vld [tilespmem:s28+$0x6C0]  }
0xb3: {  	v20 =	vmul.f32 v37, v36;
	v36 =	vld [tilespmem:s28+$0x8770]  }
0xb4: {  	v16 =	vadd.f32 v50, v16;
	v50 =	vld [tilespmem:$0x1FED0]  }
0xb5: {  	[tilespmem:$0x1FE00] =	vst v2;
	v2 =	vld [tilespmem:s28+$0x8570]  }
0xb6: {  	[tilespmem:$0x1FEA0] =	vst v3;
	v3 =	vld [tilespmem:s28+$0x8640]  }
0xb7: {  	[tilespmem:$0x1FF50] =	vst v58;
	v58 =	vld [tilespmem:s28+$0x86C0]  }
0xb8: {  	v5 =	vadd.f32 v20, v5;
	v20 =	vld [tilespmem:s28+$0x8750]  }
0xb9: {  	v48 =	vld [tilespmem:$0x1FDF0]  }
0xba: {  	[tilespmem:$0x1FE10] =	vst v2;
	v2 =	vld [tilespmem:s28+$0x5A0]  }
0xbb: {  	[tilespmem:$0x1FEB0] =	vst v3;
	v3 =	vld [tilespmem:s28+$0x650]  }
0xbc: {  	[tilespmem:$0x1FF60] =	vst v58;
	v58 =	vld [tilespmem:s28+$0x6D0]  }
0xbd: {  	v46 =	vld [tilespmem:$0x1FEA0]  }
0xbe: {  	v60 =	vld [tilespmem:$0x1FE10]  }
0xbf: {  	[tilespmem:$0x1FE20] =	vst v2;
	v2 =	vld [tilespmem:s28+$0x85A0]  }
0xc0: {  	[tilespmem:$0x1FEC0] =	vst v3;
	v3 =	vld [tilespmem:s28+$0x660]  }
0xc1: {  	[tilespmem:$0x1FF70] =	vst v58;
	v58 =	vld [tilespmem:s28+$0x86D0]  }
0xc2: {  	v18 =	vmul.f32 v48, v47;
	v47 =	vld [tilespmem:$0x1FEB0]  }
0xc3: {  	v61 =	vld [tilespmem:$0x1FE20]  }
0xc4: {  	[tilespmem:$0x1FE30] =	vst v2;
	v2 =	vld [tilespmem:s28+$0x5B0]  }
0xc5: {  	[tilespmem:$0x1FEF0] =	vst v3;
	v3 =	vld [tilespmem:s28+$0x8660]  }
0xc6: {  	[tilespmem:$0x1FF80] =	vst v58;
	v58 =	vld [tilespmem:s28+$0x6E0]  }
0xc7: {  	v48 =	vld [tilespmem:$0x1FEC0]  }
0xc8: {  	v62 =	vld [tilespmem:$0x1FE30]  }
0xc9: {  	[tilespmem:$0x1FE40] =	vst v2;
	v2 =	vld [tilespmem:s28+$0x85B0]  }
0xca: {  	[tilespmem:$0x1FF00] =	vst v3;
	v3 =	vld [tilespmem:s28+$0x670]  }
0xcb: {  	[tilespmem:$0x1FFB0] =	vst v58;
	v58 =	vld [tilespmem:s28+$0x86E0]  }
0xcc: {  	v53 =	vmul.f32 v53, v52;
	v52 =	vld [tilespmem:$0x1FEF0]  }
0xcd: {  	v63 =	vld [tilespmem:$0x1FE40]  }
0xce: {  	[tilespmem:$0x1FE50] =	vst v2;
	v2 =	vld [tilespmem:s28+$0x5F0]  }
0xcf: {  	[tilespmem:$0x1FF10] =	vst v3;
	v3 =	vld [tilespmem:s28+$0x8670]  }
0xd0: {  	[tilespmem:$0x1FFC0] =	vst v58;
	v58 =	vld [tilespmem:s28+$0x6F0]  }
0xd1: {  	v41 =	vmul.f32 v41, v40;
	v40 =	vld [tilespmem:$0x1FE50]  }
0xd2: {  	v55 =	vmul.f32 v55, v54;
	v54 =	vld [tilespmem:$0x1FF10]  }
0xd3: {  	[tilespmem:$0x1FE60] =	vst v2;
	v2 =	vld [tilespmem:s28+$0x85F0]  }
0xd4: {  	[tilespmem:$0x1FF20] =	vst v3;
	v3 =	vld [tilespmem:s28+$0x8690]  }
0xd5: {  	[tilespmem:$0x1FFD0] =	vst v58;
	v58 =	vmul.f32 v7, v6;
	v6 =	vld [tilespmem:s28+$0x86F0]  }
0xd6: {  	v7 =	vmul.f32 v13, v12;
	v13 =	vld [tilespmem:s28+$0x700]  }
0xd7: {  	v12 =	vmul.f32 v15, v14;
	v15 =	vmul.f32 v9, v8;
	v8 =	vld [tilespmem:s28+$0x8700]  }
0xd8: {  	v14 =	vld [tilespmem:s28+$0x8710]  }
0xd9: {  	v9 =	vadd.f32 v31, v30;
	v31 =	vld [tilespmem:s28+$0x770]  }
0xda: {  	v26 =	vmul.f32 v26, v42;
	v42 =	vld [tilespmem:$0x1FE60]  }
0xdb: {  	v37 =	vmul.f32 v40, v63;
	v63 =	vld [tilespmem:$0x1FF90]  }
0xdc: {  	v4 =	vadd.f32 v58, v4;
	v58 =	vmul.f32 v11, v10;
	v11 =	vld [tilespmem:s28+$0x710]  }
0xdd: {  	v7 =	vadd.f32 v12, v7;
	v12 =	vld [tilespmem:s28+$0x8720]  }
0xde: {  	v10 =	vadd.f32 v29, v28;
	v29 =	vld [tilespmem:s28+$0x8760]  }
0xdf: {  	v9 =	vadd.f32 v41, v9;
	v41 =	vmul.f32 v43, v51;
	v51 =	vld [tilespmem:$0x1FEE0]  }
0xe0: {  	v28 =	vmul.f32 v62, v61;
	v61 =	vld [tilespmem:$0x1FF80]  }
0xe1: {  	v62 =	vld [tilespmem:s28+$0x7C0]  }
0xe2: {  	v4 =	vadd.f32 v15, v4;
	v15 =	vld [tilespmem:s28+$0x720]  }
0xe3: {  	v7 =	vadd.f32 v17, v7;
	v17 =	vld [tilespmem:s28+$0x730]  }
0xe4: {  	v10 =	vadd.f32 v38, v10;
	v38 =	vld [tilespmem:s28+$0x780]  }
0xe5: {  	v9 =	vadd.f32 v18, v9;
	v18 =	vadd.f32 v55, v53;
	v53 =	vld [tilespmem:$0x1FF00]  }
0xe6: {  	v55 =	vld [tilespmem:$0x1FF20]  }
0xe7: {  	[tilespmem:$0x1FE70] =	vst v2;
	v2 =	vld [tilespmem:s28+$0x8610]  }
0xe8: {  	v7 =	vadd.f32 v23, v7;
	v23 =	vld [tilespmem:s28+$0x8740]  }
0xe9: {  	v4 =	vadd.f32 v58, v4;
	v58 =	vld [tilespmem:$0x1FE00]  }
0xea: {  	v18 =	vadd.f32 v28, v18;
	v28 =	vld [tilespmem:s28+$0x8780]  }
0xeb: {  	v3 =	vmul.f32 v3, v32;
	v43 =	vld [tilespmem:$0x1FE70]  }
0xec: {  	v8 =	vmul.f32 v8, v13;
	v10 =	vadd.f32 v39, v10;
	v39 =	vld [tilespmem:s28+$0x7A0]  }
0xed: {  	v32 =	vmul.f32 v51, v50;
	v3 =	vadd.f32 v3, v49;
	v11 =	vmul.f32 v14, v11;
	v49 =	vld [tilespmem:s28+$0x87D0]  }
0xee: {  	v51 =	vld [tilespmem:$0x1FFD0];
	v18 =	vadd.f32 v37, v18;
	v37 =	vmul.f32 v59, v48;
	v34 =	vmul.f32 v53, v52  }
0xef: {  	v48 =	vld [tilespmem:s28+$0x7D0];
	v40 =	vmul.f32 v55, v54;
	v12 =	vmul.f32 v12, v15  }
0xf0: {  	v52 =	vld [tilespmem:s28+$0x7E0];
	v8 =	vadd.f32 v11, v8;
	v53 =	vmul.f32 v19, v17;
	v2 =	vmul.f32 v2, v33  }
0xf1: {  	v22 =	vadd.f32 v41, v22;
	v55 =	vld [tilespmem:s28+$0x87E0];
	v35 =	vmul.f32 v60, v58;
	v30 =	vmul.f32 v43, v42  }
0xf2: {  	v59 =	vld [tilespmem:$0x1FF60];
	v54 =	vmul.f32 v23, v21;
	v8 =	vadd.f32 v12, v8;
	v23 =	vmul.f32 v27, v39  }
0xf3: {  	v58 =	vld [tilespmem:$0x1FF50];
	v2 =	vadd.f32 v2, v26;
	v26 =	vmul.f32 v45, v44;
	v6 =	vmul.f32 v6, v51  }
0xf4: {  	v60 =	vld [tilespmem:$0x1FF70];
	v22 =	vadd.f32 v30, v22;
	v30 =	vmul.f32 v47, v46;
	v13 =	vmul.f32 v49, v48  }
0xf5: {  	v44 =	vld [tilespmem:$0x1FFA0];
	v2 =	vadd.f32 v26, v2;
	v26 =	vmul.f32 v57, v56;
	v56 =	vmul.f32 v20, v25  }
0xf6: {  	v45 =	vld [tilespmem:s28+$0x87C0];
	v16 =	vadd.f32 v35, v16;
	v57 =	vmul.f32 v29, v24;
	v15 =	vmul.f32 v55, v52  }
0xf7: {  	v33 =	vld [tilespmem:s28+$0x790];
	v8 =	vadd.f32 v53, v8;
	v25 =	vmul.f32 v36, v31;
	v29 =	vperm.xlane v4, v0  }
0xf8: {  	v35 =	vld [tilespmem:s28+$0x8790];
	v31 =	vperm.xlane v10, v0;
	v30 =	vadd.f32 v37, v30;
	v36 =	vperm.xlane v22, v0  }
0xf9: {  	v46 =	vld [tilespmem:$0x1FFB0];
	v42 =	vmul.f32 v61, v60;
	v2 =	vadd.f32 v32, v2;
	v3 =	vadd.f32 v26, v3  }
0xfa: {  	v47 =	vld [tilespmem:$0x1FFC0];
	v30 =	vadd.f32 v34, v30;
	v34 =	vmul.f32 v59, v58;
	v26 =	vmul.f32 v44, v63  }
0xfb: {  	v41 =	vld [tilespmem:s28+$0x87B0];
	v14 =	vadd.f32 v56, v54;
	v59 =	vmul.f32 v28, v38;
	v62 =	vmul.f32 v45, v62  }
0xfc: {  	v37 =	vld [tilespmem:s28+$0x7B0];
	v28 =	vperm.xlane v7, v0;
	v7 =	vsel vm0, v29, v7;
	v38 =	vperm.xlane v18, v0  }
0xfd: {  	v45 =	vperm.xlane v8, v0;
	v60 =	vmul.f32 v35, v33;
	v14 =	vadd.f32 v57, v14  }
0xfe: {  	v33 =	vperm.xlane v5, v0;
	v5 =	vsel vm0, v5, v31;
	v35 =	vperm.xlane v9, v0  }
0xff: {  	v30 =	vadd.f32 v40, v30;
	v34 =	vadd.f32 v42, v34;
	v40 =	vmul.f32 v47, v46  }
0x100: {  	v61 =	vld [tilespmem:s28+$0x87F0];
	v3 =	vadd.f32 v26, v3;
	v13 =	vadd.f32 v13, v62;
	v4 =	vsel vm0, v4, v28  }
0x101: {  	v58 =	vld [tilespmem:s28+$0x7F0];
	v63 =	vadd.f32 v60, v59;
	v26 =	vmul.f32 v41, v37;
	v14 =	vadd.f32 v25, v14  }
0x102: {  	v10 =	vsel vm0, v33, v10;
	v4 =	vadd.f32 v7, v4;
	v37 =	vsel vm0, v35, v16  }
0x103: {  	v7 =	vsel vm0, v18, v36;
	v50 =	vadd.f32 v40, v34;
	v13 =	vadd.f32 v15, v13  }
0x104: {  	v34 =	vperm.xlane v16, v0;
	v5 =	vadd.f32 v10, v5;
	v39 =	vperm.xlane v30, v0  }
0x105: {  	v40 =	vperm.xlane v2, v0;
	v42 =	vperm.xlane v3, v0;
	v11 =	vadd.f32 v23, v63  }
0x106: {  	v27 =	vmul.f32 v61, v58;
	v44 =	vperm.xlane v14, v0;
	v10 =	vsel vm0, v45, v14  }
0x107: {  	v49 =	vperm.xlane v4, v1;
	v6 =	vadd.f32 v6, v50;
	v9 =	vsel vm0, v9, v34  }
0x108: {  	v2 =	vsel vm0, v2, v39;
	v43 =	vsel vm0, v40, v30;
	v11 =	vadd.f32 v26, v11  }
0x109: {  	v48 =	vperm.xlane v5, v1;
	v32 =	vadd.f32 v27, v13;
	v9 =	vadd.f32 v37, v9  }
0x10a: {  	v13 =	vsel vm0, v38, v22;
	v2 =	vadd.f32 v43, v2;
	v8 =	vsel vm0, v8, v44  }
0x10b: {  	v5 =	vsel vm1, v49, v5;
	v41 =	vperm.xlane v6, v0;
	v7 =	vadd.f32 v13, v7  }
0x10c: {  	v6 =	vsel vm0, v42, v6;
	v46 =	vperm.xlane v32, v0;
	v47 =	vperm.xlane v11, v0  }
0x10d: {  	v8 =	vadd.f32 v10, v8;
	v51 =	vperm.xlane v9, v1;
	v3 =	vsel vm0, v3, v41  }
0x10e: {  	v3 =	vadd.f32 v6, v3;
	v11 =	vsel vm0, v11, v46;
	v6 =	vsel vm0, v47, v32  }
0x10f: {  	v4 =	vsel vm1, v4, v48;
	v50 =	vperm.xlane v7, v1;
	v6 =	vadd.f32 v6, v11  }
0x110: {  	v57 =	vld [tilespmem:$0x1FFE0];
	v53 =	vperm.xlane v2, v1;
	v55 =	vperm.xlane v8, v1;
	v7 =	vsel vm1, v51, v7  }
0x111: {  	v9 =	vsel vm1, v9, v50;
	v52 =	vperm.xlane v3, v1;
	v54 =	vperm.xlane v6, v1  }
0x112: {  	v4 =	vadd.f32 v5, v4;
	v56 =	vadd.f32 v7, v9;
	v3 =	vsel vm1, v53, v3  }
0x113: {  	v6 =	vsel vm1, v55, v6;
	v2 =	vsel vm1, v2, v52;
	v58 =	vsel vm1, v8, v54  }
0x114: {  	v2 =	vadd.f32 v3, v2;
	v3 =	vadd.f32 v6, v58  }
0x115: {  	v60 =	vperm.xlane v4, v57;
	v59 =	vperm.xlane v56, v57  }
0x116: {  	v63 =	vld [tilespmem:$0x1FFF0];
	v62 =	vperm.xlane v2, v57;
	v61 =	vperm.xlane v3, v57  }
0x117: {  	v5 =	vsel vm2, v60, v56  }
0x118: {  	v4 =	vsel vm2, v4, v59;
	v3 =	vsel vm2, v62, v3;
	v2 =	vsel vm2, v2, v61  }
0x119: {  	v4 =	vadd.f32 v5, v4;
	v2 =	vadd.f32 v3, v2;
	_ =	sdelay $0x1  }
0x11a: {  	p0 =	sne.s32 s26, $0x1F000;
	v5 =	vperm.xlane v4, v63;
	v3 =	vperm.xlane v2, v63  }
.Ltmp0:
0x11b: {  	_ = 	snop;
	(pc) =	sbr.rel @p0 .LBB2_2-.Ltmp0, $3  }
0x11c: {  	v2 =	vsel vm3, v5, v2;
	v3 =	vsel vm3, v4, v3  }
0x11d: {  	v2 =	vadd.f32 v2, v3;
	_ =	sdelay $0x1  }
0x11e: {  	s26 =	sadd.s32 $0x1000, s26;
	[tilespmem:s25+$0x0] =	vst v2;
	s25 =	sadd.s32 $0x10, s25  }
0x11f: {  	s24 =	sadd.s32 $0x1, s24  }
0x120: {  	p0 =	sne.s32 s24, s14  }
.Ltmp1:
0x121: {  	_ = 	snop;
	(pc) =	sbr.rel @p0 .LBB2_1-.Ltmp1, $4  }
0x122: {  	[hbm4b:s13+s1] =	stream.linear.scatter [tilespmem:s23], [sflag:$0x3], $0x200, $0x38;
	[tilespmem:$0x10600] =	vst v63  }
0x123: {  	_ =	swait.ge [sflag:s15], $0x200  }
0x124: {  	[sflag:s15] =	ssyncset.done $0x0  }
0x125: {  	[sflag:s15] =	ssyncadd.s32 $0xFFFFFE00  }
0x126: {  	_ =	sfence.sel $0x180000  }
0x127: {  	[bflag:$0x0] =	sbarrier.arrive $0xFFFF  }
0x128: {  	_ =	strace $0x90000047  }
0x129: {  	s0 =	stileid.u32;
	[bflag:$0x2] =	sbarrier.arrive $0xFFFF  }
0x12a: {  	p0 =	sne.s32 s0, $0x0;
	s0 =	rddreg [dreg:$0x4]  }
0x12b: {  	s0 =	sadd.s32 @!p0 $0x100000, s0  }
0x12c: {  	[sflag:s0] =	ssyncadd.tile.s32 @!p0 $0x1;
	_ =	shalt  }
.Lfunc_end2:
_tile_overlayer_lowered:
.L_overlay_start_2:
0x12d: {  	(tag) =	ssettag $0x2  }
0x12e: {  	s0 =	rddreg [dreg:$0x0];
	s2 =	stileid.u32  }
0x12f: {  	s1 =	rddreg [dreg:$0x1];
	p0 =	sne.s32 s2, $0x0  }
0x130: {  	s3 =	rddreg [dreg:$0x2];
	[bflag:$0x3] =	sbarrier.arrive $0xFFFF;
	s2 =	simm.s32 @!p0 $0x1C03  }
0x131: {  	[timem:s3], [sflag:s2] =	dma.local @!p0 [hbm:s0], s1  }
0x132: {  	s0 =	simm.s32 @!p0 $0x3  }
0x133: {  	_ =	swait.ge @!p0 [sflag:s0], s1  }
0x134: {  	s1 =	ssub.s32 @!p0 $0x0, s1;
	[sflag:s0] =	ssyncset.done @!p0 $0x0  }
0x135: {  	[sflag:s0] =	ssyncadd.s32 @!p0 s1  }
0x136: {  	[bflag:$0x3] =	sbarrier.arrive $0xFFFF  }
0x137: {  	_ =	shalt  }

</sc_bundles>
